<compile_context>
chip_gen: v7x
topology: tpu7x:2x2x1
jax: 0.10.2.dev20260603
libtpu: 0.0.44.dev20260713+nightly
codegen_flags: <defaults>
</compile_context>

<pallas_src>
import functools

import jax
import jax.numpy as jnp
from jax import lax
from jax.experimental import pallas as pl
from jax.experimental.pallas import tpu as pltpu
from jax.experimental.pallas import tpu_sc as plsc

N_NODES_ = 10000
N_EDGES_ = 320000
D_ = 128

NC = 2
NS = 16
NW = NC * NS

E_PER_W = N_EDGES_ // NW
CHUNK = 80
N_CHUNKS = E_PER_W // CHUNK

_GATHER_DNUMS = lax.GatherDimensionNumbers(
    offset_dims=(), collapsed_slice_dims=(0,), start_index_map=(0,))


def _lane_perm(t, idx):
    return lax.gather(
        t, idx[:, None], _GATHER_DNUMS, slice_sizes=(1,),
        mode=lax.GatherScatterMode.PROMISE_IN_BOUNDS)


def _lane_sum(t):
    lane = lax.iota(jnp.int32, 16)
    for m in (8, 4, 2, 1):
        t = t + _lane_perm(t, lane ^ m)
    return t


def _dot_chunk(rows_a, rows_b, tmp_v, out_v, out_base):
    lane = lax.iota(jnp.int32, 16)

    @plsc.parallel_loop(0, CHUNK, 1, unroll=2)
    def _(e):
        parts = []
        for k in range(4):
            aw = rows_a[e, pl.ds(16 * k, 16)]
            bw = rows_b[e, pl.ds(16 * k, 16)]
            a_hi = lax.bitcast_convert_type(aw, jnp.float32)
            b_hi = lax.bitcast_convert_type(bw, jnp.float32)
            a_lo = lax.bitcast_convert_type(aw << 16, jnp.float32)
            b_lo = lax.bitcast_convert_type(bw << 16, jnp.float32)
            parts.append(a_hi * b_hi + a_lo * b_lo)
        s2 = [parts[0] + parts[1], parts[2] + parts[3]]
        t = _lane_sum(s2[0] + s2[1])
        tmp_v[pl.ds(e * 16, 16)] = t

    def compact_body(g, _):
        acc = jnp.zeros((16,), jnp.float32)
        for i in range(16):
            acc = jnp.where(lane == i, tmp_v[pl.ds((g * 16 + i) * 16, 16)],
                            acc)
        out_v[pl.ds(out_base + g * 16, 16)] = acc
        return 0

    lax.fori_loop(0, CHUNK // 16, compact_body, 0)


def _edge_decoder_kernel(x_src_hbm, x_dst_hbm, idx_src_hbm, idx_dst_hbm,
                         out_hbm, ia0, ib0, ia1, ib1,
                         rows_a0, rows_b0, rows_a1, rows_b1,
                         tmp_v, out_v, sh_a, sh_b, si0, si1, sa0, sb0, sa1,
                         sb1):
    sid = lax.axis_index("s")
    wid = sid * NC + lax.axis_index("c")
    base = wid * E_PER_W

    rows_share = N_NODES_ // NS
    pltpu.sync_copy(x_src_hbm.at[pl.ds(sid * rows_share, rows_share)],
                    sh_a.at[pl.ds(sid * rows_share, rows_share)])
    pltpu.sync_copy(x_dst_hbm.at[pl.ds(sid * rows_share, rows_share)],
                    sh_b.at[pl.ds(sid * rows_share, rows_share)])
    plsc.subcore_barrier()

    def issue_idx(c, ia, ib, si):
        off = base + c * CHUNK
        pltpu.async_copy(idx_src_hbm.at[pl.ds(off, CHUNK)], ia, si)
        pltpu.async_copy(idx_dst_hbm.at[pl.ds(off, CHUNK)], ib, si)

    def wait_idx(ia, ib, si):
        pltpu.make_async_copy(idx_src_hbm.at[pl.ds(0, CHUNK)], ia, si).wait()
        pltpu.make_async_copy(idx_dst_hbm.at[pl.ds(0, CHUNK)], ib, si).wait()

    def issue_rows(ia, ib, ra, rb, sa, sb):
        pltpu.async_copy(sh_a.at[ia], ra, sa)
        pltpu.async_copy(sh_b.at[ib], rb, sb)

    def wait_rows(ia, ib, ra, rb, sa, sb):
        pltpu.make_async_copy(sh_a.at[ia], ra, sa).wait()
        pltpu.make_async_copy(sh_b.at[ib], rb, sb).wait()

    pltpu.sync_copy(idx_src_hbm.at[pl.ds(base, CHUNK)], ia0)
    pltpu.sync_copy(idx_dst_hbm.at[pl.ds(base, CHUNK)], ib0)
    issue_rows(ia0, ib0, rows_a0, rows_b0, sa0, sb0)
    issue_idx(1, ia1, ib1, si1)

    def pair_body(g, _):
        c0 = 2 * g
        wait_idx(ia1, ib1, si1)
        issue_rows(ia1, ib1, rows_a1, rows_b1, sa1, sb1)
        wait_rows(ia0, ib0, rows_a0, rows_b0, sa0, sb0)
        issue_idx(c0 + 2, ia0, ib0, si0)
        _dot_chunk(rows_a0, rows_b0, tmp_v, out_v, c0 * CHUNK)
        wait_idx(ia0, ib0, si0)
        issue_rows(ia0, ib0, rows_a0, rows_b0, sa0, sb0)
        wait_rows(ia1, ib1, rows_a1, rows_b1, sa1, sb1)

        @pl.when(g < (N_CHUNKS - 3) // 2)
        def _():
            issue_idx(c0 + 3, ia1, ib1, si1)

        _dot_chunk(rows_a1, rows_b1, tmp_v, out_v, (c0 + 1) * CHUNK)
        return 0

    lax.fori_loop(0, (N_CHUNKS - 1) // 2, pair_body, 0)

    wait_rows(ia0, ib0, rows_a0, rows_b0, sa0, sb0)
    _dot_chunk(rows_a0, rows_b0, tmp_v, out_v, (N_CHUNKS - 1) * CHUNK)

    pltpu.sync_copy(out_v, out_hbm.at[pl.ds(base, E_PER_W)])


@jax.jit
def _edge_decoder(x_src, x_dst, idx_src, idx_dst):
    mesh = plsc.VectorSubcoreMesh(core_axis_name="c", subcore_axis_name="s")
    kfn = functools.partial(
        pl.kernel,
        mesh=mesh,
        compiler_params=pltpu.CompilerParams(use_tc_tiling_on_sc=False),
        out_type=jax.ShapeDtypeStruct((N_EDGES_,), jnp.float32),
        scratch_types=[
            pltpu.VMEM((CHUNK,), jnp.int32),
            pltpu.VMEM((CHUNK,), jnp.int32),
            pltpu.VMEM((CHUNK,), jnp.int32),
            pltpu.VMEM((CHUNK,), jnp.int32),
            pltpu.VMEM((CHUNK, D_ // 2), jnp.int32),
            pltpu.VMEM((CHUNK, D_ // 2), jnp.int32),
            pltpu.VMEM((CHUNK, D_ // 2), jnp.int32),
            pltpu.VMEM((CHUNK, D_ // 2), jnp.int32),
            pltpu.VMEM((CHUNK * 16,), jnp.float32),
            pltpu.VMEM((E_PER_W,), jnp.float32),
            pltpu.VMEM_SHARED((N_NODES_, D_ // 2), jnp.int32),
            pltpu.VMEM_SHARED((N_NODES_, D_ // 2), jnp.int32),
            pltpu.SemaphoreType.DMA,
            pltpu.SemaphoreType.DMA,
            pltpu.SemaphoreType.DMA,
            pltpu.SemaphoreType.DMA,
            pltpu.SemaphoreType.DMA,
            pltpu.SemaphoreType.DMA,
        ],
    )(_edge_decoder_kernel)
    return kfn(x_src, x_dst, idx_src, idx_dst)


def _pack_table(x):
    xb = x.astype(jnp.bfloat16).reshape(N_NODES_, D_ // 2, 2)
    return jax.lax.bitcast_convert_type(xb, jnp.int32)


def kernel(x_src, x_dst, edge_label_index):
    idx = edge_label_index.astype(jnp.int32)
    return _edge_decoder(_pack_table(x_src), _pack_table(x_dst),
                         idx[0], idx[1])

# --- scband reference (transcript-rebuilt; emitter-appended) ---
"""Pipeline reference for scband-dot-product-edge-decoder-25821343384060 (READ-ONLY COPY).

The authoritative reference and input builder live on the scoring server;
editing this copy changes nothing except your own understanding.
"""

import jax, jax.numpy as jnp
import numpy as np

N_NODES = 10000
N_EDGES = 320000
D_FEAT = 128

def setup_inputs(seed: int = 0) -> dict:
    key = jax.random.key(seed)
    k1, k2, k3 = jax.random.split(key, 3)
    x_src = jax.random.normal(k1, (N_NODES, D_FEAT), dtype=jnp.float32)
    x_dst = jax.random.normal(k2, (N_NODES, D_FEAT), dtype=jnp.float32)
    edge_label_index = jax.random.randint(k3, (2, N_EDGES), 0, N_NODES, dtype=jnp.int64)
    return {"x_src": x_src, "x_dst": x_dst, "edge_label_index": edge_label_index}

def reference(x_src, x_dst, edge_label_index):
    # x_dict[self.rel_src][edge_label_index[0]] -> gather of source node embeddings
    A = jnp.take(x_src, edge_label_index[0], axis=0)
    # x_dict[self.rel_dst][edge_label_index[1]] -> gather of destination node embeddings
    B = jnp.take(x_dst, edge_label_index[1], axis=0)
    # torch.bmm(A.unsqueeze(1), B.unsqueeze(2)).squeeze() == per-edge dot product -> [E]
    out = jnp.sum(A * B, axis=-1)
    return out

if __name__ == "__main__":
    import jax
    _d = setup_inputs()
    print(jax.jit(kernel)(*tuple(_d.values())))

</pallas_src>

<mosaic_0001>
#map = affine_map<(d0, d1) -> (0, 0)>
#map1 = affine_map<(d0, d1) -> (0)>
module attributes {stable_mosaic.version = 14 : i64} {
  func.func @_edge_decoder_kernel(%arg0: i32, %arg1: i32, %arg2: memref<10000x64xi32, #tpu.memory_space<hbm>>, %arg3: memref<10000x64xi32, #tpu.memory_space<hbm>>, %arg4: memref<320000xi32, #tpu.memory_space<hbm>>, %arg5: memref<320000xi32, #tpu.memory_space<hbm>>, %arg6: memref<320000xf32, #tpu.memory_space<hbm>>, %arg7: memref<80xi32, #tpu.memory_space<vmem>>, %arg8: memref<80xi32, #tpu.memory_space<vmem>>, %arg9: memref<80xi32, #tpu.memory_space<vmem>>, %arg10: memref<80xi32, #tpu.memory_space<vmem>>, %arg11: memref<80x64xi32, #tpu.memory_space<vmem>>, %arg12: memref<80x64xi32, #tpu.memory_space<vmem>>, %arg13: memref<80x64xi32, #tpu.memory_space<vmem>>, %arg14: memref<80x64xi32, #tpu.memory_space<vmem>>, %arg15: memref<1280xf32, #tpu.memory_space<vmem>>, %arg16: memref<10000xf32, #tpu.memory_space<vmem>>, %arg17: memref<10000x64xi32, #tpu.memory_space<vmem_shared>>, %arg18: memref<10000x64xi32, #tpu.memory_space<vmem_shared>>, %arg19: memref<!tpu.dma_semaphore, #tpu.memory_space<semaphore_mem>>, %arg20: memref<!tpu.dma_semaphore, #tpu.memory_space<semaphore_mem>>, %arg21: memref<!tpu.dma_semaphore, #tpu.memory_space<semaphore_mem>>, %arg22: memref<!tpu.dma_semaphore, #tpu.memory_space<semaphore_mem>>, %arg23: memref<!tpu.dma_semaphore, #tpu.memory_space<semaphore_mem>>, %arg24: memref<!tpu.dma_semaphore, #tpu.memory_space<semaphore_mem>>) attributes {dimension_semantics = [#tpu.dimension_semantics<core_parallel>, #tpu.dimension_semantics<subcore_parallel>], iteration_bounds = array<i64: 2, 16>, scalar_prefetch = 0 : i64, scratch_operands = 18 : i64, tpu.core_type = #tpu.core_type<sc_vector_subcore>, window_params = [{transform_indices = #map}, {transform_indices = #map}, {transform_indices = #map1}, {transform_indices = #map1}, {transform_indices = #map1}]} {
    %mul3A = arith.constant 2 : i32
    %mul3A_0 = arith.muli %arg1, %mul3A : i32
    %add3A = arith.addi %mul3A_0, %arg0 : i32
    %mul3A_1 = arith.constant 10000 : i32
    %mul3A_2 = arith.muli %add3A, %mul3A_1 : i32
    %mul3A_3 = arith.constant 625 : i32
    %mul3A_4 = arith.muli %arg1, %mul3A_3 : i32
    %mul3A_5 = arith.constant 625 : i32
    %mul3A_6 = arith.muli %arg1, %mul3A_5 : i32
    "tpu.region"() ({
      %run_scoped3A = tpu.sem_alloc : memref<!tpu.dma_semaphore, #tpu.memory_space<semaphore_mem>>
      %dma_start3A_42 = arith.constant 0 : i32
      %dma_start3A_43 = tpu.memref_slice %arg17[%mul3A_6, %dma_start3A_42] : memref<10000x64xi32, #tpu.memory_space<vmem_shared>> -> memref<625x64xi32, #tpu.memory_space<vmem_shared>>
      %dma_start3A_44 = arith.constant 0 : i32
      %dma_start3A_45 = tpu.memref_slice %arg2[%mul3A_4, %dma_start3A_44] : memref<10000x64xi32, #tpu.memory_space<hbm>> -> memref<625x64xi32, #tpu.memory_space<hbm>>
      tpu.enqueue_dma source(%dma_start3A_45 : memref<625x64xi32, #tpu.memory_space<hbm>>) target(%dma_start3A_43 : memref<625x64xi32, #tpu.memory_space<vmem_shared>>) target_semaphore(%run_scoped3A : memref<!tpu.dma_semaphore, #tpu.memory_space<semaphore_mem>>)
      %dma_wait3A_46 = arith.constant 0 : i32
      %dma_wait3A_47 = tpu.memref_slice %arg17[%mul3A_6, %dma_wait3A_46] : memref<10000x64xi32, #tpu.memory_space<vmem_shared>> -> memref<625x64xi32, #tpu.memory_space<vmem_shared>>
      %dma_wait3A_48 = arith.constant 0 : i32
      %dma_wait3A_49 = tpu.memref_slice %arg2[%mul3A_4, %dma_wait3A_48] : memref<10000x64xi32, #tpu.memory_space<hbm>> -> memref<625x64xi32, #tpu.memory_space<hbm>>
      tpu.wait_dma2 semaphore(%run_scoped3A : memref<!tpu.dma_semaphore, #tpu.memory_space<semaphore_mem>>) src(%dma_wait3A_49 : memref<625x64xi32, #tpu.memory_space<hbm>>) dst(%dma_wait3A_47 : memref<625x64xi32, #tpu.memory_space<vmem_shared>>)
      tpu.yield
    }) : () -> ()
    %mul3A_7 = arith.constant 625 : i32
    %mul3A_8 = arith.muli %arg1, %mul3A_7 : i32
    %mul3A_9 = arith.constant 625 : i32
    %mul3A_10 = arith.muli %arg1, %mul3A_9 : i32
    "tpu.region"() ({
      %run_scoped3A = tpu.sem_alloc : memref<!tpu.dma_semaphore, #tpu.memory_space<semaphore_mem>>
      %dma_start3A_42 = arith.constant 0 : i32
      %dma_start3A_43 = tpu.memref_slice %arg18[%mul3A_10, %dma_start3A_42] : memref<10000x64xi32, #tpu.memory_space<vmem_shared>> -> memref<625x64xi32, #tpu.memory_space<vmem_shared>>
      %dma_start3A_44 = arith.constant 0 : i32
      %dma_start3A_45 = tpu.memref_slice %arg3[%mul3A_8, %dma_start3A_44] : memref<10000x64xi32, #tpu.memory_space<hbm>> -> memref<625x64xi32, #tpu.memory_space<hbm>>
      tpu.enqueue_dma source(%dma_start3A_45 : memref<625x64xi32, #tpu.memory_space<hbm>>) target(%dma_start3A_43 : memref<625x64xi32, #tpu.memory_space<vmem_shared>>) target_semaphore(%run_scoped3A : memref<!tpu.dma_semaphore, #tpu.memory_space<semaphore_mem>>)
      %dma_wait3A_46 = arith.constant 0 : i32
      %dma_wait3A_47 = tpu.memref_slice %arg18[%mul3A_10, %dma_wait3A_46] : memref<10000x64xi32, #tpu.memory_space<vmem_shared>> -> memref<625x64xi32, #tpu.memory_space<vmem_shared>>
      %dma_wait3A_48 = arith.constant 0 : i32
      %dma_wait3A_49 = tpu.memref_slice %arg3[%mul3A_8, %dma_wait3A_48] : memref<10000x64xi32, #tpu.memory_space<hbm>> -> memref<625x64xi32, #tpu.memory_space<hbm>>
      tpu.wait_dma2 semaphore(%run_scoped3A : memref<!tpu.dma_semaphore, #tpu.memory_space<semaphore_mem>>) src(%dma_wait3A_49 : memref<625x64xi32, #tpu.memory_space<hbm>>) dst(%dma_wait3A_47 : memref<625x64xi32, #tpu.memory_space<vmem_shared>>)
      tpu.yield
    }) : () -> ()
    %barrier3A = arith.constant 0 : index
    tpu.barrier barrier_id(%barrier3A)
    "tpu.region"() ({
      %run_scoped3A = tpu.sem_alloc : memref<!tpu.dma_semaphore, #tpu.memory_space<semaphore_mem>>
      %dma_start3A_42 = tpu.memref_slice %arg4[%mul3A_2] : memref<320000xi32, #tpu.memory_space<hbm>> -> memref<80xi32, #tpu.memory_space<hbm>>
      %dma_start3A_43 = tpu.memref_slice %arg4[%mul3A_2] : memref<320000xi32, #tpu.memory_space<hbm>> -> memref<80xi32, #tpu.memory_space<hbm>>
      tpu.enqueue_dma source(%dma_start3A_43 : memref<80xi32, #tpu.memory_space<hbm>>) target(%arg7 : memref<80xi32, #tpu.memory_space<vmem>>) target_semaphore(%run_scoped3A : memref<!tpu.dma_semaphore, #tpu.memory_space<semaphore_mem>>)
      %dma_wait3A_44 = tpu.memref_slice %arg4[%mul3A_2] : memref<320000xi32, #tpu.memory_space<hbm>> -> memref<80xi32, #tpu.memory_space<hbm>>
      %dma_wait3A_45 = tpu.memref_slice %arg4[%mul3A_2] : memref<320000xi32, #tpu.memory_space<hbm>> -> memref<80xi32, #tpu.memory_space<hbm>>
      tpu.wait_dma2 semaphore(%run_scoped3A : memref<!tpu.dma_semaphore, #tpu.memory_space<semaphore_mem>>) src(%dma_wait3A_45 : memref<80xi32, #tpu.memory_space<hbm>>) dst(%arg7 : memref<80xi32, #tpu.memory_space<vmem>>)
      tpu.yield
    }) : () -> ()
    "tpu.region"() ({
      %run_scoped3A = tpu.sem_alloc : memref<!tpu.dma_semaphore, #tpu.memory_space<semaphore_mem>>
      %dma_start3A_42 = tpu.memref_slice %arg5[%mul3A_2] : memref<320000xi32, #tpu.memory_space<hbm>> -> memref<80xi32, #tpu.memory_space<hbm>>
      %dma_start3A_43 = tpu.memref_slice %arg5[%mul3A_2] : memref<320000xi32, #tpu.memory_space<hbm>> -> memref<80xi32, #tpu.memory_space<hbm>>
      tpu.enqueue_dma source(%dma_start3A_43 : memref<80xi32, #tpu.memory_space<hbm>>) target(%arg8 : memref<80xi32, #tpu.memory_space<vmem>>) target_semaphore(%run_scoped3A : memref<!tpu.dma_semaphore, #tpu.memory_space<semaphore_mem>>)
      %dma_wait3A_44 = tpu.memref_slice %arg5[%mul3A_2] : memref<320000xi32, #tpu.memory_space<hbm>> -> memref<80xi32, #tpu.memory_space<hbm>>
      %dma_wait3A_45 = tpu.memref_slice %arg5[%mul3A_2] : memref<320000xi32, #tpu.memory_space<hbm>> -> memref<80xi32, #tpu.memory_space<hbm>>
      tpu.wait_dma2 semaphore(%run_scoped3A : memref<!tpu.dma_semaphore, #tpu.memory_space<semaphore_mem>>) src(%dma_wait3A_45 : memref<80xi32, #tpu.memory_space<hbm>>) dst(%arg8 : memref<80xi32, #tpu.memory_space<vmem>>)
      tpu.yield
    }) : () -> ()
    %dma_start3A = arith.constant 0 : i32
    %dma_start3A_11 = arith.constant 0 : i32
    %dma_start3A_12 = tpu.memref_slice %arg17[%dma_start3A, %dma_start3A_11] : memref<10000x64xi32, #tpu.memory_space<vmem_shared>> -> memref<10000x64xi32, #tpu.memory_space<vmem_shared>>
    tpu.enqueue_indirect_dma source(%dma_start3A_12 : memref<10000x64xi32, #tpu.memory_space<vmem_shared>>) target(%arg11 : memref<80x64xi32, #tpu.memory_space<vmem>>) offsets(%arg7 : memref<80xi32, #tpu.memory_space<vmem>>) semaphore(%arg21 : memref<!tpu.dma_semaphore, #tpu.memory_space<semaphore_mem>>)
    %dma_start3A_13 = arith.constant 0 : i32
    %dma_start3A_14 = arith.constant 0 : i32
    %dma_start3A_15 = tpu.memref_slice %arg18[%dma_start3A_13, %dma_start3A_14] : memref<10000x64xi32, #tpu.memory_space<vmem_shared>> -> memref<10000x64xi32, #tpu.memory_space<vmem_shared>>
    tpu.enqueue_indirect_dma source(%dma_start3A_15 : memref<10000x64xi32, #tpu.memory_space<vmem_shared>>) target(%arg12 : memref<80x64xi32, #tpu.memory_space<vmem>>) offsets(%arg8 : memref<80xi32, #tpu.memory_space<vmem>>) semaphore(%arg22 : memref<!tpu.dma_semaphore, #tpu.memory_space<semaphore_mem>>)
    %add3A_16 = arith.constant 80 : i32
    %add3A_17 = arith.addi %mul3A_2, %add3A_16 : i32
    %dma_start3A_18 = tpu.memref_slice %arg4[%add3A_17] : memref<320000xi32, #tpu.memory_space<hbm>> -> memref<80xi32, #tpu.memory_space<hbm>>
    %dma_start3A_19 = tpu.memref_slice %arg4[%add3A_17] : memref<320000xi32, #tpu.memory_space<hbm>> -> memref<80xi32, #tpu.memory_space<hbm>>
    tpu.enqueue_dma source(%dma_start3A_19 : memref<80xi32, #tpu.memory_space<hbm>>) target(%arg9 : memref<80xi32, #tpu.memory_space<vmem>>) target_semaphore(%arg20 : memref<!tpu.dma_semaphore, #tpu.memory_space<semaphore_mem>>)
    %dma_start3A_20 = tpu.memref_slice %arg5[%add3A_17] : memref<320000xi32, #tpu.memory_space<hbm>> -> memref<80xi32, #tpu.memory_space<hbm>>
    %dma_start3A_21 = tpu.memref_slice %arg5[%add3A_17] : memref<320000xi32, #tpu.memory_space<hbm>> -> memref<80xi32, #tpu.memory_space<hbm>>
    tpu.enqueue_dma source(%dma_start3A_21 : memref<80xi32, #tpu.memory_space<hbm>>) target(%arg10 : memref<80xi32, #tpu.memory_space<vmem>>) target_semaphore(%arg20 : memref<!tpu.dma_semaphore, #tpu.memory_space<semaphore_mem>>)
    %scan3A = arith.constant 0 : i32
    %scan3A_22 = arith.constant 0 : i32
    %scan3A_23 = arith.constant 62 : i32
    %scan3A_24 = arith.addi %scan3A_22, %scan3A_23 : i32
    %scan3A_25 = arith.constant 1 : i32
    %scan3A_26 = scf.for %scan3A_42 = %scan3A_22 to %scan3A_24 step %scan3A_25 iter_args(%scan3A_43 = %scan3A) -> (i32)  : i32 {
      %mul3A_44 = arith.constant 2 : i32
      %mul3A_45 = arith.muli %mul3A_44, %scan3A_42 : i32
      %dma_wait3A_46 = arith.constant 0 : i32
      %dma_wait3A_47 = tpu.memref_slice %arg4[%dma_wait3A_46] : memref<320000xi32, #tpu.memory_space<hbm>> -> memref<80xi32, #tpu.memory_space<hbm>>
      %dma_wait3A_48 = arith.constant 0 : i32
      %dma_wait3A_49 = tpu.memref_slice %arg4[%dma_wait3A_48] : memref<320000xi32, #tpu.memory_space<hbm>> -> memref<80xi32, #tpu.memory_space<hbm>>
      tpu.wait_dma2 semaphore(%arg20 : memref<!tpu.dma_semaphore, #tpu.memory_space<semaphore_mem>>) src(%dma_wait3A_49 : memref<80xi32, #tpu.memory_space<hbm>>) dst(%arg9 : memref<80xi32, #tpu.memory_space<vmem>>)
      %dma_wait3A_50 = arith.constant 0 : i32
      %dma_wait3A_51 = tpu.memref_slice %arg5[%dma_wait3A_50] : memref<320000xi32, #tpu.memory_space<hbm>> -> memref<80xi32, #tpu.memory_space<hbm>>
      %dma_wait3A_52 = arith.constant 0 : i32
      %dma_wait3A_53 = tpu.memref_slice %arg5[%dma_wait3A_52] : memref<320000xi32, #tpu.memory_space<hbm>> -> memref<80xi32, #tpu.memory_space<hbm>>
      tpu.wait_dma2 semaphore(%arg20 : memref<!tpu.dma_semaphore, #tpu.memory_space<semaphore_mem>>) src(%dma_wait3A_53 : memref<80xi32, #tpu.memory_space<hbm>>) dst(%arg10 : memref<80xi32, #tpu.memory_space<vmem>>)
      %dma_start3A_54 = arith.constant 0 : i32
      %dma_start3A_55 = arith.constant 0 : i32
      %dma_start3A_56 = tpu.memref_slice %arg17[%dma_start3A_54, %dma_start3A_55] : memref<10000x64xi32, #tpu.memory_space<vmem_shared>> -> memref<10000x64xi32, #tpu.memory_space<vmem_shared>>
      tpu.enqueue_indirect_dma source(%dma_start3A_56 : memref<10000x64xi32, #tpu.memory_space<vmem_shared>>) target(%arg13 : memref<80x64xi32, #tpu.memory_space<vmem>>) offsets(%arg9 : memref<80xi32, #tpu.memory_space<vmem>>) semaphore(%arg23 : memref<!tpu.dma_semaphore, #tpu.memory_space<semaphore_mem>>)
      %dma_start3A_57 = arith.constant 0 : i32
      %dma_start3A_58 = arith.constant 0 : i32
      %dma_start3A_59 = tpu.memref_slice %arg18[%dma_start3A_57, %dma_start3A_58] : memref<10000x64xi32, #tpu.memory_space<vmem_shared>> -> memref<10000x64xi32, #tpu.memory_space<vmem_shared>>
      tpu.enqueue_indirect_dma source(%dma_start3A_59 : memref<10000x64xi32, #tpu.memory_space<vmem_shared>>) target(%arg14 : memref<80x64xi32, #tpu.memory_space<vmem>>) offsets(%arg10 : memref<80xi32, #tpu.memory_space<vmem>>) semaphore(%arg24 : memref<!tpu.dma_semaphore, #tpu.memory_space<semaphore_mem>>)
      %dma_wait3A_60 = arith.constant 0 : i32
      %dma_wait3A_61 = arith.constant 0 : i32
      %dma_wait3A_62 = tpu.memref_slice %arg17[%dma_wait3A_60, %dma_wait3A_61] : memref<10000x64xi32, #tpu.memory_space<vmem_shared>> -> memref<10000x64xi32, #tpu.memory_space<vmem_shared>>
      tpu.wait_indirect_dma semaphore(%arg21 : memref<!tpu.dma_semaphore, #tpu.memory_space<semaphore_mem>>) src(%dma_wait3A_62 : memref<10000x64xi32, #tpu.memory_space<vmem_shared>>) dst(%arg11 : memref<80x64xi32, #tpu.memory_space<vmem>>)
      %dma_wait3A_63 = arith.constant 0 : i32
      %dma_wait3A_64 = arith.constant 0 : i32
      %dma_wait3A_65 = tpu.memref_slice %arg18[%dma_wait3A_63, %dma_wait3A_64] : memref<10000x64xi32, #tpu.memory_space<vmem_shared>> -> memref<10000x64xi32, #tpu.memory_space<vmem_shared>>
      tpu.wait_indirect_dma semaphore(%arg22 : memref<!tpu.dma_semaphore, #tpu.memory_space<semaphore_mem>>) src(%dma_wait3A_65 : memref<10000x64xi32, #tpu.memory_space<vmem_shared>>) dst(%arg12 : memref<80x64xi32, #tpu.memory_space<vmem>>)
      %add3A_66 = arith.constant 2 : i32
      %add3A_67 = arith.addi %mul3A_45, %add3A_66 : i32
      %mul3A_68 = arith.constant 80 : i32
      %mul3A_69 = arith.muli %add3A_67, %mul3A_68 : i32
      %add3A_70 = arith.addi %mul3A_2, %mul3A_69 : i32
      %dma_start3A_71 = tpu.memref_slice %arg4[%add3A_70] : memref<320000xi32, #tpu.memory_space<hbm>> -> memref<80xi32, #tpu.memory_space<hbm>>
      %dma_start3A_72 = tpu.memref_slice %arg4[%add3A_70] : memref<320000xi32, #tpu.memory_space<hbm>> -> memref<80xi32, #tpu.memory_space<hbm>>
      tpu.enqueue_dma source(%dma_start3A_72 : memref<80xi32, #tpu.memory_space<hbm>>) target(%arg7 : memref<80xi32, #tpu.memory_space<vmem>>) target_semaphore(%arg19 : memref<!tpu.dma_semaphore, #tpu.memory_space<semaphore_mem>>)
      %dma_start3A_73 = tpu.memref_slice %arg5[%add3A_70] : memref<320000xi32, #tpu.memory_space<hbm>> -> memref<80xi32, #tpu.memory_space<hbm>>
      %dma_start3A_74 = tpu.memref_slice %arg5[%add3A_70] : memref<320000xi32, #tpu.memory_space<hbm>> -> memref<80xi32, #tpu.memory_space<hbm>>
      tpu.enqueue_dma source(%dma_start3A_74 : memref<80xi32, #tpu.memory_space<hbm>>) target(%arg8 : memref<80xi32, #tpu.memory_space<vmem>>) target_semaphore(%arg19 : memref<!tpu.dma_semaphore, #tpu.memory_space<semaphore_mem>>)
      %mul3A_75 = arith.constant 80 : i32
      %mul3A_76 = arith.muli %mul3A_45, %mul3A_75 : i32
      %iota3A_77 = tpu.iota {dimensions = array<i32: 0>} : vector<16xi32>
      %parallel_loop3A_78 = arith.constant 0 : i32
      %parallel_loop3A_79 = arith.constant 80 : i32
      %parallel_loop3A_80 = arith.constant 1 : i32
      scf.for %parallel_loop3A_126 = %parallel_loop3A_78 to %parallel_loop3A_79 step %parallel_loop3A_80  : i32 {
        %parallel_loop3A_127 = arith.index_cast %parallel_loop3A_126 : i32 to index
        %parallel_loop3A_128 = arith.constant 0 : index
        %parallel_loop3A_129 = tpu.vector_load %arg11[%parallel_loop3A_127, %parallel_loop3A_128] {strides = array<i32>} : memref<80x64xi32, #tpu.memory_space<vmem>>, vector<1x16xi32>,
        %parallel_loop3A_130 = vector.shape_cast %parallel_loop3A_129 : vector<1x16xi32> to vector<16xi32>
        %parallel_loop3A_131 = arith.index_cast %parallel_loop3A_126 : i32 to index
        %parallel_loop3A_132 = arith.constant 0 : index
        %parallel_loop3A_133 = tpu.vector_load %arg12[%parallel_loop3A_131, %parallel_loop3A_132] {strides = array<i32>} : memref<80x64xi32, #tpu.memory_space<vmem>>, vector<1x16xi32>,
        %parallel_loop3A_134 = vector.shape_cast %parallel_loop3A_133 : vector<1x16xi32> to vector<16xi32>
        %parallel_loop3A_135 = tpu.bitcast %parallel_loop3A_130 : vector<16xi32> -> vector<16xf32>
        %parallel_loop3A_136 = tpu.bitcast %parallel_loop3A_134 : vector<16xi32> -> vector<16xf32>
        %parallel_loop3A_137 = arith.constant 16 : i32
        %parallel_loop3A_138 = vector.broadcast %parallel_loop3A_137 : i32 to vector<16xi32>
        %parallel_loop3A_139 = arith.shli %parallel_loop3A_130, %parallel_loop3A_138 : vector<16xi32>
        %parallel_loop3A_140 = tpu.bitcast %parallel_loop3A_139 : vector<16xi32> -> vector<16xf32>
        %parallel_loop3A_141 = arith.constant 16 : i32
        %parallel_loop3A_142 = vector.broadcast %parallel_loop3A_141 : i32 to vector<16xi32>
        %parallel_loop3A_143 = arith.shli %parallel_loop3A_134, %parallel_loop3A_142 : vector<16xi32>
        %parallel_loop3A_144 = tpu.bitcast %parallel_loop3A_143 : vector<16xi32> -> vector<16xf32>
        %parallel_loop3A_145 = arith.mulf %parallel_loop3A_135, %parallel_loop3A_136 : vector<16xf32>
        %parallel_loop3A_146 = arith.mulf %parallel_loop3A_140, %parallel_loop3A_144 : vector<16xf32>
        %parallel_loop3A_147 = arith.addf %parallel_loop3A_145, %parallel_loop3A_146 : vector<16xf32>
        %parallel_loop3A_148 = arith.index_cast %parallel_loop3A_126 : i32 to index
        %parallel_loop3A_149 = arith.constant 16 : index
        %parallel_loop3A_150 = tpu.vector_load %arg11[%parallel_loop3A_148, %parallel_loop3A_149] {strides = array<i32>} : memref<80x64xi32, #tpu.memory_space<vmem>>, vector<1x16xi32>,
        %parallel_loop3A_151 = vector.shape_cast %parallel_loop3A_150 : vector<1x16xi32> to vector<16xi32>
        %parallel_loop3A_152 = arith.index_cast %parallel_loop3A_126 : i32 to index
        %parallel_loop3A_153 = arith.constant 16 : index
        %parallel_loop3A_154 = tpu.vector_load %arg12[%parallel_loop3A_152, %parallel_loop3A_153] {strides = array<i32>} : memref<80x64xi32, #tpu.memory_space<vmem>>, vector<1x16xi32>,
        %parallel_loop3A_155 = vector.shape_cast %parallel_loop3A_154 : vector<1x16xi32> to vector<16xi32>
        %parallel_loop3A_156 = tpu.bitcast %parallel_loop3A_151 : vector<16xi32> -> vector<16xf32>
        %parallel_loop3A_157 = tpu.bitcast %parallel_loop3A_155 : vector<16xi32> -> vector<16xf32>
        %parallel_loop3A_158 = arith.constant 16 : i32
        %parallel_loop3A_159 = vector.broadcast %parallel_loop3A_158 : i32 to vector<16xi32>
        %parallel_loop3A_160 = arith.shli %parallel_loop3A_151, %parallel_loop3A_159 : vector<16xi32>
        %parallel_loop3A_161 = tpu.bitcast %parallel_loop3A_160 : vector<16xi32> -> vector<16xf32>
        %parallel_loop3A_162 = arith.constant 16 : i32
        %parallel_loop3A_163 = vector.broadcast %parallel_loop3A_162 : i32 to vector<16xi32>
        %parallel_loop3A_164 = arith.shli %parallel_loop3A_155, %parallel_loop3A_163 : vector<16xi32>
        %parallel_loop3A_165 = tpu.bitcast %parallel_loop3A_164 : vector<16xi32> -> vector<16xf32>
        %parallel_loop3A_166 = arith.mulf %parallel_loop3A_156, %parallel_loop3A_157 : vector<16xf32>
        %parallel_loop3A_167 = arith.mulf %parallel_loop3A_161, %parallel_loop3A_165 : vector<16xf32>
        %parallel_loop3A_168 = arith.addf %parallel_loop3A_166, %parallel_loop3A_167 : vector<16xf32>
        %parallel_loop3A_169 = arith.index_cast %parallel_loop3A_126 : i32 to index
        %parallel_loop3A_170 = arith.constant 32 : index
        %parallel_loop3A_171 = tpu.vector_load %arg11[%parallel_loop3A_169, %parallel_loop3A_170] {strides = array<i32>} : memref<80x64xi32, #tpu.memory_space<vmem>>, vector<1x16xi32>,
        %parallel_loop3A_172 = vector.shape_cast %parallel_loop3A_171 : vector<1x16xi32> to vector<16xi32>
        %parallel_loop3A_173 = arith.index_cast %parallel_loop3A_126 : i32 to index
        %parallel_loop3A_174 = arith.constant 32 : index
        %parallel_loop3A_175 = tpu.vector_load %arg12[%parallel_loop3A_173, %parallel_loop3A_174] {strides = array<i32>} : memref<80x64xi32, #tpu.memory_space<vmem>>, vector<1x16xi32>,
        %parallel_loop3A_176 = vector.shape_cast %parallel_loop3A_175 : vector<1x16xi32> to vector<16xi32>
        %parallel_loop3A_177 = tpu.bitcast %parallel_loop3A_172 : vector<16xi32> -> vector<16xf32>
        %parallel_loop3A_178 = tpu.bitcast %parallel_loop3A_176 : vector<16xi32> -> vector<16xf32>
        %parallel_loop3A_179 = arith.constant 16 : i32
        %parallel_loop3A_180 = vector.broadcast %parallel_loop3A_179 : i32 to vector<16xi32>
        %parallel_loop3A_181 = arith.shli %parallel_loop3A_172, %parallel_loop3A_180 : vector<16xi32>
        %parallel_loop3A_182 = tpu.bitcast %parallel_loop3A_181 : vector<16xi32> -> vector<16xf32>
        %parallel_loop3A_183 = arith.constant 16 : i32
        %parallel_loop3A_184 = vector.broadcast %parallel_loop3A_183 : i32 to vector<16xi32>
        %parallel_loop3A_185 = arith.shli %parallel_loop3A_176, %parallel_loop3A_184 : vector<16xi32>
        %parallel_loop3A_186 = tpu.bitcast %parallel_loop3A_185 : vector<16xi32> -> vector<16xf32>
        %parallel_loop3A_187 = arith.mulf %parallel_loop3A_177, %parallel_loop3A_178 : vector<16xf32>
        %parallel_loop3A_188 = arith.mulf %parallel_loop3A_182, %parallel_loop3A_186 : vector<16xf32>
        %parallel_loop3A_189 = arith.addf %parallel_loop3A_187, %parallel_loop3A_188 : vector<16xf32>
        %parallel_loop3A_190 = arith.index_cast %parallel_loop3A_126 : i32 to index
        %parallel_loop3A_191 = arith.constant 48 : index
        %parallel_loop3A_192 = tpu.vector_load %arg11[%parallel_loop3A_190, %parallel_loop3A_191] {strides = array<i32>} : memref<80x64xi32, #tpu.memory_space<vmem>>, vector<1x16xi32>,
        %parallel_loop3A_193 = vector.shape_cast %parallel_loop3A_192 : vector<1x16xi32> to vector<16xi32>
        %parallel_loop3A_194 = arith.index_cast %parallel_loop3A_126 : i32 to index
        %parallel_loop3A_195 = arith.constant 48 : index
        %parallel_loop3A_196 = tpu.vector_load %arg12[%parallel_loop3A_194, %parallel_loop3A_195] {strides = array<i32>} : memref<80x64xi32, #tpu.memory_space<vmem>>, vector<1x16xi32>,
        %parallel_loop3A_197 = vector.shape_cast %parallel_loop3A_196 : vector<1x16xi32> to vector<16xi32>
        %parallel_loop3A_198 = tpu.bitcast %parallel_loop3A_193 : vector<16xi32> -> vector<16xf32>
        %parallel_loop3A_199 = tpu.bitcast %parallel_loop3A_197 : vector<16xi32> -> vector<16xf32>
        %parallel_loop3A_200 = arith.constant 16 : i32
        %parallel_loop3A_201 = vector.broadcast %parallel_loop3A_200 : i32 to vector<16xi32>
        %parallel_loop3A_202 = arith.shli %parallel_loop3A_193, %parallel_loop3A_201 : vector<16xi32>
        %parallel_loop3A_203 = tpu.bitcast %parallel_loop3A_202 : vector<16xi32> -> vector<16xf32>
        %parallel_loop3A_204 = arith.constant 16 : i32
        %parallel_loop3A_205 = vector.broadcast %parallel_loop3A_204 : i32 to vector<16xi32>
        %parallel_loop3A_206 = arith.shli %parallel_loop3A_197, %parallel_loop3A_205 : vector<16xi32>
        %parallel_loop3A_207 = tpu.bitcast %parallel_loop3A_206 : vector<16xi32> -> vector<16xf32>
        %parallel_loop3A_208 = arith.mulf %parallel_loop3A_198, %parallel_loop3A_199 : vector<16xf32>
        %parallel_loop3A_209 = arith.mulf %parallel_loop3A_203, %parallel_loop3A_207 : vector<16xf32>
        %parallel_loop3A_210 = arith.addf %parallel_loop3A_208, %parallel_loop3A_209 : vector<16xf32>
        %parallel_loop3A_211 = arith.addf %parallel_loop3A_147, %parallel_loop3A_168 : vector<16xf32>
        %parallel_loop3A_212 = arith.addf %parallel_loop3A_189, %parallel_loop3A_210 : vector<16xf32>
        %parallel_loop3A_213 = arith.addf %parallel_loop3A_211, %parallel_loop3A_212 : vector<16xf32>
        %parallel_loop3A_214 = tpu.iota {dimensions = array<i32: 0>} : vector<16xi32>
        %parallel_loop3A_215 = arith.constant 8 : i32
        %parallel_loop3A_216 = vector.broadcast %parallel_loop3A_215 : i32 to vector<16xi32>
        %parallel_loop3A_217 = arith.xori %parallel_loop3A_214, %parallel_loop3A_216 : vector<16xi32>
        %parallel_loop3A_218 = vector.shape_cast %parallel_loop3A_217 : vector<16xi32> to vector<16x1xi32>
        %parallel_loop3A_219 = vector.shape_cast %parallel_loop3A_218 : vector<16x1xi32> to vector<16xi32>
        %parallel_loop3A_220 = tpu.dynamic_gather %parallel_loop3A_213[%parallel_loop3A_219] in [0] : vector<16xf32>, vector<16xi32> -> vector<16xf32>
        %parallel_loop3A_221 = arith.addf %parallel_loop3A_213, %parallel_loop3A_220 : vector<16xf32>
        %parallel_loop3A_222 = arith.constant 4 : i32
        %parallel_loop3A_223 = vector.broadcast %parallel_loop3A_222 : i32 to vector<16xi32>
        %parallel_loop3A_224 = arith.xori %parallel_loop3A_214, %parallel_loop3A_223 : vector<16xi32>
        %parallel_loop3A_225 = vector.shape_cast %parallel_loop3A_224 : vector<16xi32> to vector<16x1xi32>
        %parallel_loop3A_226 = vector.shape_cast %parallel_loop3A_225 : vector<16x1xi32> to vector<16xi32>
        %parallel_loop3A_227 = tpu.dynamic_gather %parallel_loop3A_221[%parallel_loop3A_226] in [0] : vector<16xf32>, vector<16xi32> -> vector<16xf32>
        %parallel_loop3A_228 = arith.addf %parallel_loop3A_221, %parallel_loop3A_227 : vector<16xf32>
        %parallel_loop3A_229 = arith.constant 2 : i32
        %parallel_loop3A_230 = vector.broadcast %parallel_loop3A_229 : i32 to vector<16xi32>
        %parallel_loop3A_231 = arith.xori %parallel_loop3A_214, %parallel_loop3A_230 : vector<16xi32>
        %parallel_loop3A_232 = vector.shape_cast %parallel_loop3A_231 : vector<16xi32> to vector<16x1xi32>
        %parallel_loop3A_233 = vector.shape_cast %parallel_loop3A_232 : vector<16x1xi32> to vector<16xi32>
        %parallel_loop3A_234 = tpu.dynamic_gather %parallel_loop3A_228[%parallel_loop3A_233] in [0] : vector<16xf32>, vector<16xi32> -> vector<16xf32>
        %parallel_loop3A_235 = arith.addf %parallel_loop3A_228, %parallel_loop3A_234 : vector<16xf32>
        %parallel_loop3A_236 = arith.constant 1 : i32
        %parallel_loop3A_237 = vector.broadcast %parallel_loop3A_236 : i32 to vector<16xi32>
        %parallel_loop3A_238 = arith.xori %parallel_loop3A_214, %parallel_loop3A_237 : vector<16xi32>
        %parallel_loop3A_239 = vector.shape_cast %parallel_loop3A_238 : vector<16xi32> to vector<16x1xi32>
        %parallel_loop3A_240 = vector.shape_cast %parallel_loop3A_239 : vector<16x1xi32> to vector<16xi32>
        %parallel_loop3A_241 = tpu.dynamic_gather %parallel_loop3A_235[%parallel_loop3A_240] in [0] : vector<16xf32>, vector<16xi32> -> vector<16xf32>
        %parallel_loop3A_242 = arith.addf %parallel_loop3A_235, %parallel_loop3A_241 : vector<16xf32>
        %parallel_loop3A_243 = arith.constant 16 : i32
        %parallel_loop3A_244 = arith.muli %parallel_loop3A_126, %parallel_loop3A_243 : i32
        %parallel_loop3A_245 = arith.index_cast %parallel_loop3A_244 : i32 to index
        %parallel_loop3A_246 = tpu.vector_load %arg15[%parallel_loop3A_245] {strides = array<i32>} : memref<1280xf32, #tpu.memory_space<vmem>>, vector<16xf32>,
        %parallel_loop3A_247 = vector.shape_cast %parallel_loop3A_246 : vector<16xf32> to vector<16xf32>
        %parallel_loop3A_248 = vector.shape_cast %parallel_loop3A_242 : vector<16xf32> to vector<16xf32>
        tpu.vector_store %arg15[%parallel_loop3A_245], %parallel_loop3A_248 {strides = array<i32>} : memref<1280xf32, #tpu.memory_space<vmem>>, vector<16xf32>,
      } {sc.loop_unroll_factor = 2 : i64, sc.parallel_access}
      %scan3A_81 = arith.constant 0 : i32
      %scan3A_82 = arith.constant 0 : i32
      %scan3A_83 = arith.constant 5 : i32
      %scan3A_84 = arith.addi %scan3A_82, %scan3A_83 : i32
      %scan3A_85 = arith.constant 1 : i32
      %scan3A_86 = scf.for %scan3A_126 = %scan3A_82 to %scan3A_84 step %scan3A_85 iter_args(%scan3A_127 = %scan3A_81) -> (i32)  : i32 {
        %broadcast_in_dim3A = arith.constant 0.000000e+00 : f32
        %broadcast_in_dim3A_128 = vector.broadcast %broadcast_in_dim3A : f32 to vector<16xf32>
        %eq3A = arith.constant 0 : i32
        %eq3A_129 = vector.broadcast %eq3A : i32 to vector<16xi32>
        %eq3A_130 = arith.cmpi eq, %iota3A_77, %eq3A_129 : vector<16xi32>
        %mul3A_131 = arith.constant 16 : i32
        %mul3A_132 = arith.muli %scan3A_126, %mul3A_131 : i32
        %add3A_133 = arith.constant 0 : i32
        %add3A_134 = arith.addi %mul3A_132, %add3A_133 : i32
        %mul3A_135 = arith.constant 16 : i32
        %mul3A_136 = arith.muli %add3A_134, %mul3A_135 : i32
        %get3A = arith.index_cast %mul3A_136 : i32 to index
        %get3A_137 = tpu.vector_load %arg15[%get3A] {strides = array<i32>} : memref<1280xf32, #tpu.memory_space<vmem>>, vector<16xf32>,
        %get3A_138 = vector.shape_cast %get3A_137 : vector<16xf32> to vector<16xf32>
        %select_n3A = arith.select %eq3A_130, %get3A_138, %broadcast_in_dim3A_128 : vector<16xi1>, vector<16xf32>
        %eq3A_139 = arith.constant 1 : i32
        %eq3A_140 = vector.broadcast %eq3A_139 : i32 to vector<16xi32>
        %eq3A_141 = arith.cmpi eq, %iota3A_77, %eq3A_140 : vector<16xi32>
        %mul3A_142 = arith.constant 16 : i32
        %mul3A_143 = arith.muli %scan3A_126, %mul3A_142 : i32
        %add3A_144 = arith.constant 1 : i32
        %add3A_145 = arith.addi %mul3A_143, %add3A_144 : i32
        %mul3A_146 = arith.constant 16 : i32
        %mul3A_147 = arith.muli %add3A_145, %mul3A_146 : i32
        %get3A_148 = arith.index_cast %mul3A_147 : i32 to index
        %get3A_149 = tpu.vector_load %arg15[%get3A_148] {strides = array<i32>} : memref<1280xf32, #tpu.memory_space<vmem>>, vector<16xf32>,
        %get3A_150 = vector.shape_cast %get3A_149 : vector<16xf32> to vector<16xf32>
        %select_n3A_151 = arith.select %eq3A_141, %get3A_150, %select_n3A : vector<16xi1>, vector<16xf32>
        %eq3A_152 = arith.constant 2 : i32
        %eq3A_153 = vector.broadcast %eq3A_152 : i32 to vector<16xi32>
        %eq3A_154 = arith.cmpi eq, %iota3A_77, %eq3A_153 : vector<16xi32>
        %mul3A_155 = arith.constant 16 : i32
        %mul3A_156 = arith.muli %scan3A_126, %mul3A_155 : i32
        %add3A_157 = arith.constant 2 : i32
        %add3A_158 = arith.addi %mul3A_156, %add3A_157 : i32
        %mul3A_159 = arith.constant 16 : i32
        %mul3A_160 = arith.muli %add3A_158, %mul3A_159 : i32
        %get3A_161 = arith.index_cast %mul3A_160 : i32 to index
        %get3A_162 = tpu.vector_load %arg15[%get3A_161] {strides = array<i32>} : memref<1280xf32, #tpu.memory_space<vmem>>, vector<16xf32>,
        %get3A_163 = vector.shape_cast %get3A_162 : vector<16xf32> to vector<16xf32>
        %select_n3A_164 = arith.select %eq3A_154, %get3A_163, %select_n3A_151 : vector<16xi1>, vector<16xf32>
        %eq3A_165 = arith.constant 3 : i32
        %eq3A_166 = vector.broadcast %eq3A_165 : i32 to vector<16xi32>
        %eq3A_167 = arith.cmpi eq, %iota3A_77, %eq3A_166 : vector<16xi32>
        %mul3A_168 = arith.constant 16 : i32
        %mul3A_169 = arith.muli %scan3A_126, %mul3A_168 : i32
        %add3A_170 = arith.constant 3 : i32
        %add3A_171 = arith.addi %mul3A_169, %add3A_170 : i32
        %mul3A_172 = arith.constant 16 : i32
        %mul3A_173 = arith.muli %add3A_171, %mul3A_172 : i32
        %get3A_174 = arith.index_cast %mul3A_173 : i32 to index
        %get3A_175 = tpu.vector_load %arg15[%get3A_174] {strides = array<i32>} : memref<1280xf32, #tpu.memory_space<vmem>>, vector<16xf32>,
        %get3A_176 = vector.shape_cast %get3A_175 : vector<16xf32> to vector<16xf32>
        %select_n3A_177 = arith.select %eq3A_167, %get3A_176, %select_n3A_164 : vector<16xi1>, vector<16xf32>
        %eq3A_178 = arith.constant 4 : i32
        %eq3A_179 = vector.broadcast %eq3A_178 : i32 to vector<16xi32>
        %eq3A_180 = arith.cmpi eq, %iota3A_77, %eq3A_179 : vector<16xi32>
        %mul3A_181 = arith.constant 16 : i32
        %mul3A_182 = arith.muli %scan3A_126, %mul3A_181 : i32
        %add3A_183 = arith.constant 4 : i32
        %add3A_184 = arith.addi %mul3A_182, %add3A_183 : i32
        %mul3A_185 = arith.constant 16 : i32
        %mul3A_186 = arith.muli %add3A_184, %mul3A_185 : i32
        %get3A_187 = arith.index_cast %mul3A_186 : i32 to index
        %get3A_188 = tpu.vector_load %arg15[%get3A_187] {strides = array<i32>} : memref<1280xf32, #tpu.memory_space<vmem>>, vector<16xf32>,
        %get3A_189 = vector.shape_cast %get3A_188 : vector<16xf32> to vector<16xf32>
        %select_n3A_190 = arith.select %eq3A_180, %get3A_189, %select_n3A_177 : vector<16xi1>, vector<16xf32>
        %eq3A_191 = arith.constant 5 : i32
        %eq3A_192 = vector.broadcast %eq3A_191 : i32 to vector<16xi32>
        %eq3A_193 = arith.cmpi eq, %iota3A_77, %eq3A_192 : vector<16xi32>
        %mul3A_194 = arith.constant 16 : i32
        %mul3A_195 = arith.muli %scan3A_126, %mul3A_194 : i32
        %add3A_196 = arith.constant 5 : i32
        %add3A_197 = arith.addi %mul3A_195, %add3A_196 : i32
        %mul3A_198 = arith.constant 16 : i32
        %mul3A_199 = arith.muli %add3A_197, %mul3A_198 : i32
        %get3A_200 = arith.index_cast %mul3A_199 : i32 to index
        %get3A_201 = tpu.vector_load %arg15[%get3A_200] {strides = array<i32>} : memref<1280xf32, #tpu.memory_space<vmem>>, vector<16xf32>,
        %get3A_202 = vector.shape_cast %get3A_201 : vector<16xf32> to vector<16xf32>
        %select_n3A_203 = arith.select %eq3A_193, %get3A_202, %select_n3A_190 : vector<16xi1>, vector<16xf32>
        %eq3A_204 = arith.constant 6 : i32
        %eq3A_205 = vector.broadcast %eq3A_204 : i32 to vector<16xi32>
        %eq3A_206 = arith.cmpi eq, %iota3A_77, %eq3A_205 : vector<16xi32>
        %mul3A_207 = arith.constant 16 : i32
        %mul3A_208 = arith.muli %scan3A_126, %mul3A_207 : i32
        %add3A_209 = arith.constant 6 : i32
        %add3A_210 = arith.addi %mul3A_208, %add3A_209 : i32
        %mul3A_211 = arith.constant 16 : i32
        %mul3A_212 = arith.muli %add3A_210, %mul3A_211 : i32
        %get3A_213 = arith.index_cast %mul3A_212 : i32 to index
        %get3A_214 = tpu.vector_load %arg15[%get3A_213] {strides = array<i32>} : memref<1280xf32, #tpu.memory_space<vmem>>, vector<16xf32>,
        %get3A_215 = vector.shape_cast %get3A_214 : vector<16xf32> to vector<16xf32>
        %select_n3A_216 = arith.select %eq3A_206, %get3A_215, %select_n3A_203 : vector<16xi1>, vector<16xf32>
        %eq3A_217 = arith.constant 7 : i32
        %eq3A_218 = vector.broadcast %eq3A_217 : i32 to vector<16xi32>
        %eq3A_219 = arith.cmpi eq, %iota3A_77, %eq3A_218 : vector<16xi32>
        %mul3A_220 = arith.constant 16 : i32
        %mul3A_221 = arith.muli %scan3A_126, %mul3A_220 : i32
        %add3A_222 = arith.constant 7 : i32
        %add3A_223 = arith.addi %mul3A_221, %add3A_222 : i32
        %mul3A_224 = arith.constant 16 : i32
        %mul3A_225 = arith.muli %add3A_223, %mul3A_224 : i32
        %get3A_226 = arith.index_cast %mul3A_225 : i32 to index
        %get3A_227 = tpu.vector_load %arg15[%get3A_226] {strides = array<i32>} : memref<1280xf32, #tpu.memory_space<vmem>>, vector<16xf32>,
        %get3A_228 = vector.shape_cast %get3A_227 : vector<16xf32> to vector<16xf32>
        %select_n3A_229 = arith.select %eq3A_219, %get3A_228, %select_n3A_216 : vector<16xi1>, vector<16xf32>
        %eq3A_230 = arith.constant 8 : i32
        %eq3A_231 = vector.broadcast %eq3A_230 : i32 to vector<16xi32>
        %eq3A_232 = arith.cmpi eq, %iota3A_77, %eq3A_231 : vector<16xi32>
        %mul3A_233 = arith.constant 16 : i32
        %mul3A_234 = arith.muli %scan3A_126, %mul3A_233 : i32
        %add3A_235 = arith.constant 8 : i32
        %add3A_236 = arith.addi %mul3A_234, %add3A_235 : i32
        %mul3A_237 = arith.constant 16 : i32
        %mul3A_238 = arith.muli %add3A_236, %mul3A_237 : i32
        %get3A_239 = arith.index_cast %mul3A_238 : i32 to index
        %get3A_240 = tpu.vector_load %arg15[%get3A_239] {strides = array<i32>} : memref<1280xf32, #tpu.memory_space<vmem>>, vector<16xf32>,
        %get3A_241 = vector.shape_cast %get3A_240 : vector<16xf32> to vector<16xf32>
        %select_n3A_242 = arith.select %eq3A_232, %get3A_241, %select_n3A_229 : vector<16xi1>, vector<16xf32>
        %eq3A_243 = arith.constant 9 : i32
        %eq3A_244 = vector.broadcast %eq3A_243 : i32 to vector<16xi32>
        %eq3A_245 = arith.cmpi eq, %iota3A_77, %eq3A_244 : vector<16xi32>
        %mul3A_246 = arith.constant 16 : i32
        %mul3A_247 = arith.muli %scan3A_126, %mul3A_246 : i32
        %add3A_248 = arith.constant 9 : i32
        %add3A_249 = arith.addi %mul3A_247, %add3A_248 : i32
        %mul3A_250 = arith.constant 16 : i32
        %mul3A_251 = arith.muli %add3A_249, %mul3A_250 : i32
        %get3A_252 = arith.index_cast %mul3A_251 : i32 to index
        %get3A_253 = tpu.vector_load %arg15[%get3A_252] {strides = array<i32>} : memref<1280xf32, #tpu.memory_space<vmem>>, vector<16xf32>,
        %get3A_254 = vector.shape_cast %get3A_253 : vector<16xf32> to vector<16xf32>
        %select_n3A_255 = arith.select %eq3A_245, %get3A_254, %select_n3A_242 : vector<16xi1>, vector<16xf32>
        %eq3A_256 = arith.constant 10 : i32
        %eq3A_257 = vector.broadcast %eq3A_256 : i32 to vector<16xi32>
        %eq3A_258 = arith.cmpi eq, %iota3A_77, %eq3A_257 : vector<16xi32>
        %mul3A_259 = arith.constant 16 : i32
        %mul3A_260 = arith.muli %scan3A_126, %mul3A_259 : i32
        %add3A_261 = arith.constant 10 : i32
        %add3A_262 = arith.addi %mul3A_260, %add3A_261 : i32
        %mul3A_263 = arith.constant 16 : i32
        %mul3A_264 = arith.muli %add3A_262, %mul3A_263 : i32
        %get3A_265 = arith.index_cast %mul3A_264 : i32 to index
        %get3A_266 = tpu.vector_load %arg15[%get3A_265] {strides = array<i32>} : memref<1280xf32, #tpu.memory_space<vmem>>, vector<16xf32>,
        %get3A_267 = vector.shape_cast %get3A_266 : vector<16xf32> to vector<16xf32>
        %select_n3A_268 = arith.select %eq3A_258, %get3A_267, %select_n3A_255 : vector<16xi1>, vector<16xf32>
        %eq3A_269 = arith.constant 11 : i32
        %eq3A_270 = vector.broadcast %eq3A_269 : i32 to vector<16xi32>
        %eq3A_271 = arith.cmpi eq, %iota3A_77, %eq3A_270 : vector<16xi32>
        %mul3A_272 = arith.constant 16 : i32
        %mul3A_273 = arith.muli %scan3A_126, %mul3A_272 : i32
        %add3A_274 = arith.constant 11 : i32
        %add3A_275 = arith.addi %mul3A_273, %add3A_274 : i32
        %mul3A_276 = arith.constant 16 : i32
        %mul3A_277 = arith.muli %add3A_275, %mul3A_276 : i32
        %get3A_278 = arith.index_cast %mul3A_277 : i32 to index
        %get3A_279 = tpu.vector_load %arg15[%get3A_278] {strides = array<i32>} : memref<1280xf32, #tpu.memory_space<vmem>>, vector<16xf32>,
        %get3A_280 = vector.shape_cast %get3A_279 : vector<16xf32> to vector<16xf32>
        %select_n3A_281 = arith.select %eq3A_271, %get3A_280, %select_n3A_268 : vector<16xi1>, vector<16xf32>
        %eq3A_282 = arith.constant 12 : i32
        %eq3A_283 = vector.broadcast %eq3A_282 : i32 to vector<16xi32>
        %eq3A_284 = arith.cmpi eq, %iota3A_77, %eq3A_283 : vector<16xi32>
        %mul3A_285 = arith.constant 16 : i32
        %mul3A_286 = arith.muli %scan3A_126, %mul3A_285 : i32
        %add3A_287 = arith.constant 12 : i32
        %add3A_288 = arith.addi %mul3A_286, %add3A_287 : i32
        %mul3A_289 = arith.constant 16 : i32
        %mul3A_290 = arith.muli %add3A_288, %mul3A_289 : i32
        %get3A_291 = arith.index_cast %mul3A_290 : i32 to index
        %get3A_292 = tpu.vector_load %arg15[%get3A_291] {strides = array<i32>} : memref<1280xf32, #tpu.memory_space<vmem>>, vector<16xf32>,
        %get3A_293 = vector.shape_cast %get3A_292 : vector<16xf32> to vector<16xf32>
        %select_n3A_294 = arith.select %eq3A_284, %get3A_293, %select_n3A_281 : vector<16xi1>, vector<16xf32>
        %eq3A_295 = arith.constant 13 : i32
        %eq3A_296 = vector.broadcast %eq3A_295 : i32 to vector<16xi32>
        %eq3A_297 = arith.cmpi eq, %iota3A_77, %eq3A_296 : vector<16xi32>
        %mul3A_298 = arith.constant 16 : i32
        %mul3A_299 = arith.muli %scan3A_126, %mul3A_298 : i32
        %add3A_300 = arith.constant 13 : i32
        %add3A_301 = arith.addi %mul3A_299, %add3A_300 : i32
        %mul3A_302 = arith.constant 16 : i32
        %mul3A_303 = arith.muli %add3A_301, %mul3A_302 : i32
        %get3A_304 = arith.index_cast %mul3A_303 : i32 to index
        %get3A_305 = tpu.vector_load %arg15[%get3A_304] {strides = array<i32>} : memref<1280xf32, #tpu.memory_space<vmem>>, vector<16xf32>,
        %get3A_306 = vector.shape_cast %get3A_305 : vector<16xf32> to vector<16xf32>
        %select_n3A_307 = arith.select %eq3A_297, %get3A_306, %select_n3A_294 : vector<16xi1>, vector<16xf32>
        %eq3A_308 = arith.constant 14 : i32
        %eq3A_309 = vector.broadcast %eq3A_308 : i32 to vector<16xi32>
        %eq3A_310 = arith.cmpi eq, %iota3A_77, %eq3A_309 : vector<16xi32>
        %mul3A_311 = arith.constant 16 : i32
        %mul3A_312 = arith.muli %scan3A_126, %mul3A_311 : i32
        %add3A_313 = arith.constant 14 : i32
        %add3A_314 = arith.addi %mul3A_312, %add3A_313 : i32
        %mul3A_315 = arith.constant 16 : i32
        %mul3A_316 = arith.muli %add3A_314, %mul3A_315 : i32
        %get3A_317 = arith.index_cast %mul3A_316 : i32 to index
        %get3A_318 = tpu.vector_load %arg15[%get3A_317] {strides = array<i32>} : memref<1280xf32, #tpu.memory_space<vmem>>, vector<16xf32>,
        %get3A_319 = vector.shape_cast %get3A_318 : vector<16xf32> to vector<16xf32>
        %select_n3A_320 = arith.select %eq3A_310, %get3A_319, %select_n3A_307 : vector<16xi1>, vector<16xf32>
        %eq3A_321 = arith.constant 15 : i32
        %eq3A_322 = vector.broadcast %eq3A_321 : i32 to vector<16xi32>
        %eq3A_323 = arith.cmpi eq, %iota3A_77, %eq3A_322 : vector<16xi32>
        %mul3A_324 = arith.constant 16 : i32
        %mul3A_325 = arith.muli %scan3A_126, %mul3A_324 : i32
        %add3A_326 = arith.constant 15 : i32
        %add3A_327 = arith.addi %mul3A_325, %add3A_326 : i32
        %mul3A_328 = arith.constant 16 : i32
        %mul3A_329 = arith.muli %add3A_327, %mul3A_328 : i32
        %get3A_330 = arith.index_cast %mul3A_329 : i32 to index
        %get3A_331 = tpu.vector_load %arg15[%get3A_330] {strides = array<i32>} : memref<1280xf32, #tpu.memory_space<vmem>>, vector<16xf32>,
        %get3A_332 = vector.shape_cast %get3A_331 : vector<16xf32> to vector<16xf32>
        %select_n3A_333 = arith.select %eq3A_323, %get3A_332, %select_n3A_320 : vector<16xi1>, vector<16xf32>
        %mul3A_334 = arith.constant 16 : i32
        %mul3A_335 = arith.muli %scan3A_126, %mul3A_334 : i32
        %add3A_336 = arith.addi %mul3A_76, %mul3A_335 : i32
        %swap3A = arith.index_cast %add3A_336 : i32 to index
        %swap3A_337 = tpu.vector_load %arg16[%swap3A] {strides = array<i32>} : memref<10000xf32, #tpu.memory_space<vmem>>, vector<16xf32>,
        %swap3A_338 = vector.shape_cast %swap3A_337 : vector<16xf32> to vector<16xf32>
        %swap3A_339 = vector.shape_cast %select_n3A_333 : vector<16xf32> to vector<16xf32>
        tpu.vector_store %arg16[%swap3A], %swap3A_339 {strides = array<i32>} : memref<10000xf32, #tpu.memory_space<vmem>>, vector<16xf32>,
        %scan3A_340 = arith.constant 0 : i32
        scf.yield %scan3A_340 : i32
      }
      %scan3A_87 = arith.constant 5 : i32
      %dma_wait3A_88 = arith.constant 0 : i32
      %dma_wait3A_89 = tpu.memref_slice %arg4[%dma_wait3A_88] : memref<320000xi32, #tpu.memory_space<hbm>> -> memref<80xi32, #tpu.memory_space<hbm>>
      %dma_wait3A_90 = arith.constant 0 : i32
      %dma_wait3A_91 = tpu.memref_slice %arg4[%dma_wait3A_90] : memref<320000xi32, #tpu.memory_space<hbm>> -> memref<80xi32, #tpu.memory_space<hbm>>
      tpu.wait_dma2 semaphore(%arg19 : memref<!tpu.dma_semaphore, #tpu.memory_space<semaphore_mem>>) src(%dma_wait3A_91 : memref<80xi32, #tpu.memory_space<hbm>>) dst(%arg7 : memref<80xi32, #tpu.memory_space<vmem>>)
      %dma_wait3A_92 = arith.constant 0 : i32
      %dma_wait3A_93 = tpu.memref_slice %arg5[%dma_wait3A_92] : memref<320000xi32, #tpu.memory_space<hbm>> -> memref<80xi32, #tpu.memory_space<hbm>>
      %dma_wait3A_94 = arith.constant 0 : i32
      %dma_wait3A_95 = tpu.memref_slice %arg5[%dma_wait3A_94] : memref<320000xi32, #tpu.memory_space<hbm>> -> memref<80xi32, #tpu.memory_space<hbm>>
      tpu.wait_dma2 semaphore(%arg19 : memref<!tpu.dma_semaphore, #tpu.memory_space<semaphore_mem>>) src(%dma_wait3A_95 : memref<80xi32, #tpu.memory_space<hbm>>) dst(%arg8 : memref<80xi32, #tpu.memory_space<vmem>>)
      %dma_start3A_96 = arith.constant 0 : i32
      %dma_start3A_97 = arith.constant 0 : i32
      %dma_start3A_98 = tpu.memref_slice %arg17[%dma_start3A_96, %dma_start3A_97] : memref<10000x64xi32, #tpu.memory_space<vmem_shared>> -> memref<10000x64xi32, #tpu.memory_space<vmem_shared>>
      tpu.enqueue_indirect_dma source(%dma_start3A_98 : memref<10000x64xi32, #tpu.memory_space<vmem_shared>>) target(%arg11 : memref<80x64xi32, #tpu.memory_space<vmem>>) offsets(%arg7 : memref<80xi32, #tpu.memory_space<vmem>>) semaphore(%arg21 : memref<!tpu.dma_semaphore, #tpu.memory_space<semaphore_mem>>)
      %dma_start3A_99 = arith.constant 0 : i32
      %dma_start3A_100 = arith.constant 0 : i32
      %dma_start3A_101 = tpu.memref_slice %arg18[%dma_start3A_99, %dma_start3A_100] : memref<10000x64xi32, #tpu.memory_space<vmem_shared>> -> memref<10000x64xi32, #tpu.memory_space<vmem_shared>>
      tpu.enqueue_indirect_dma source(%dma_start3A_101 : memref<10000x64xi32, #tpu.memory_space<vmem_shared>>) target(%arg12 : memref<80x64xi32, #tpu.memory_space<vmem>>) offsets(%arg8 : memref<80xi32, #tpu.memory_space<vmem>>) semaphore(%arg22 : memref<!tpu.dma_semaphore, #tpu.memory_space<semaphore_mem>>)
      %dma_wait3A_102 = arith.constant 0 : i32
      %dma_wait3A_103 = arith.constant 0 : i32
      %dma_wait3A_104 = tpu.memref_slice %arg17[%dma_wait3A_102, %dma_wait3A_103] : memref<10000x64xi32, #tpu.memory_space<vmem_shared>> -> memref<10000x64xi32, #tpu.memory_space<vmem_shared>>
      tpu.wait_indirect_dma semaphore(%arg23 : memref<!tpu.dma_semaphore, #tpu.memory_space<semaphore_mem>>) src(%dma_wait3A_104 : memref<10000x64xi32, #tpu.memory_space<vmem_shared>>) dst(%arg13 : memref<80x64xi32, #tpu.memory_space<vmem>>)
      %dma_wait3A_105 = arith.constant 0 : i32
      %dma_wait3A_106 = arith.constant 0 : i32
      %dma_wait3A_107 = tpu.memref_slice %arg18[%dma_wait3A_105, %dma_wait3A_106] : memref<10000x64xi32, #tpu.memory_space<vmem_shared>> -> memref<10000x64xi32, #tpu.memory_space<vmem_shared>>
      tpu.wait_indirect_dma semaphore(%arg24 : memref<!tpu.dma_semaphore, #tpu.memory_space<semaphore_mem>>) src(%dma_wait3A_107 : memref<10000x64xi32, #tpu.memory_space<vmem_shared>>) dst(%arg14 : memref<80x64xi32, #tpu.memory_space<vmem>>)
      %lt3A = arith.constant 61 : i32
      %lt3A_108 = arith.cmpi slt, %scan3A_42, %lt3A : i32
      %convert_element_type3A = arith.extui %lt3A_108 : i1 to i32
      %cond3A = arith.constant 0 : i32
      %cond3A_109 = arith.cmpi ne, %convert_element_type3A, %cond3A : i32
      scf.if %cond3A_109 {
        %add3A_126 = arith.constant 3 : i32
        %add3A_127 = arith.addi %mul3A_45, %add3A_126 : i32
        %mul3A_128 = arith.constant 80 : i32
        %mul3A_129 = arith.muli %add3A_127, %mul3A_128 : i32
        %add3A_130 = arith.addi %mul3A_2, %mul3A_129 : i32
        %dma_start3A_131 = tpu.memref_slice %arg4[%add3A_130] : memref<320000xi32, #tpu.memory_space<hbm>> -> memref<80xi32, #tpu.memory_space<hbm>>
        %dma_start3A_132 = tpu.memref_slice %arg4[%add3A_130] : memref<320000xi32, #tpu.memory_space<hbm>> -> memref<80xi32, #tpu.memory_space<hbm>>
        tpu.enqueue_dma source(%dma_start3A_132 : memref<80xi32, #tpu.memory_space<hbm>>) target(%arg9 : memref<80xi32, #tpu.memory_space<vmem>>) target_semaphore(%arg20 : memref<!tpu.dma_semaphore, #tpu.memory_space<semaphore_mem>>)
        %dma_start3A_133 = tpu.memref_slice %arg5[%add3A_130] : memref<320000xi32, #tpu.memory_space<hbm>> -> memref<80xi32, #tpu.memory_space<hbm>>
        %dma_start3A_134 = tpu.memref_slice %arg5[%add3A_130] : memref<320000xi32, #tpu.memory_space<hbm>> -> memref<80xi32, #tpu.memory_space<hbm>>
        tpu.enqueue_dma source(%dma_start3A_134 : memref<80xi32, #tpu.memory_space<hbm>>) target(%arg10 : memref<80xi32, #tpu.memory_space<vmem>>) target_semaphore(%arg20 : memref<!tpu.dma_semaphore, #tpu.memory_space<semaphore_mem>>)
      } else {
      }
      %add3A_110 = arith.constant 1 : i32
      %add3A_111 = arith.addi %mul3A_45, %add3A_110 : i32
      %mul3A_112 = arith.constant 80 : i32
      %mul3A_113 = arith.muli %add3A_111, %mul3A_112 : i32
      %iota3A_114 = tpu.iota {dimensions = array<i32: 0>} : vector<16xi32>
      %parallel_loop3A_115 = arith.constant 0 : i32
      %parallel_loop3A_116 = arith.constant 80 : i32
      %parallel_loop3A_117 = arith.constant 1 : i32
      scf.for %parallel_loop3A_126 = %parallel_loop3A_115 to %parallel_loop3A_116 step %parallel_loop3A_117  : i32 {
        %parallel_loop3A_127 = arith.index_cast %parallel_loop3A_126 : i32 to index
        %parallel_loop3A_128 = arith.constant 0 : index
        %parallel_loop3A_129 = tpu.vector_load %arg13[%parallel_loop3A_127, %parallel_loop3A_128] {strides = array<i32>} : memref<80x64xi32, #tpu.memory_space<vmem>>, vector<1x16xi32>,
        %parallel_loop3A_130 = vector.shape_cast %parallel_loop3A_129 : vector<1x16xi32> to vector<16xi32>
        %parallel_loop3A_131 = arith.index_cast %parallel_loop3A_126 : i32 to index
        %parallel_loop3A_132 = arith.constant 0 : index
        %parallel_loop3A_133 = tpu.vector_load %arg14[%parallel_loop3A_131, %parallel_loop3A_132] {strides = array<i32>} : memref<80x64xi32, #tpu.memory_space<vmem>>, vector<1x16xi32>,
        %parallel_loop3A_134 = vector.shape_cast %parallel_loop3A_133 : vector<1x16xi32> to vector<16xi32>
        %parallel_loop3A_135 = tpu.bitcast %parallel_loop3A_130 : vector<16xi32> -> vector<16xf32>
        %parallel_loop3A_136 = tpu.bitcast %parallel_loop3A_134 : vector<16xi32> -> vector<16xf32>
        %parallel_loop3A_137 = arith.constant 16 : i32
        %parallel_loop3A_138 = vector.broadcast %parallel_loop3A_137 : i32 to vector<16xi32>
        %parallel_loop3A_139 = arith.shli %parallel_loop3A_130, %parallel_loop3A_138 : vector<16xi32>
        %parallel_loop3A_140 = tpu.bitcast %parallel_loop3A_139 : vector<16xi32> -> vector<16xf32>
        %parallel_loop3A_141 = arith.constant 16 : i32
        %parallel_loop3A_142 = vector.broadcast %parallel_loop3A_141 : i32 to vector<16xi32>
        %parallel_loop3A_143 = arith.shli %parallel_loop3A_134, %parallel_loop3A_142 : vector<16xi32>
        %parallel_loop3A_144 = tpu.bitcast %parallel_loop3A_143 : vector<16xi32> -> vector<16xf32>
        %parallel_loop3A_145 = arith.mulf %parallel_loop3A_135, %parallel_loop3A_136 : vector<16xf32>
        %parallel_loop3A_146 = arith.mulf %parallel_loop3A_140, %parallel_loop3A_144 : vector<16xf32>
        %parallel_loop3A_147 = arith.addf %parallel_loop3A_145, %parallel_loop3A_146 : vector<16xf32>
        %parallel_loop3A_148 = arith.index_cast %parallel_loop3A_126 : i32 to index
        %parallel_loop3A_149 = arith.constant 16 : index
        %parallel_loop3A_150 = tpu.vector_load %arg13[%parallel_loop3A_148, %parallel_loop3A_149] {strides = array<i32>} : memref<80x64xi32, #tpu.memory_space<vmem>>, vector<1x16xi32>,
        %parallel_loop3A_151 = vector.shape_cast %parallel_loop3A_150 : vector<1x16xi32> to vector<16xi32>
        %parallel_loop3A_152 = arith.index_cast %parallel_loop3A_126 : i32 to index
        %parallel_loop3A_153 = arith.constant 16 : index
        %parallel_loop3A_154 = tpu.vector_load %arg14[%parallel_loop3A_152, %parallel_loop3A_153] {strides = array<i32>} : memref<80x64xi32, #tpu.memory_space<vmem>>, vector<1x16xi32>,
        %parallel_loop3A_155 = vector.shape_cast %parallel_loop3A_154 : vector<1x16xi32> to vector<16xi32>
        %parallel_loop3A_156 = tpu.bitcast %parallel_loop3A_151 : vector<16xi32> -> vector<16xf32>
        %parallel_loop3A_157 = tpu.bitcast %parallel_loop3A_155 : vector<16xi32> -> vector<16xf32>
        %parallel_loop3A_158 = arith.constant 16 : i32
        %parallel_loop3A_159 = vector.broadcast %parallel_loop3A_158 : i32 to vector<16xi32>
        %parallel_loop3A_160 = arith.shli %parallel_loop3A_151, %parallel_loop3A_159 : vector<16xi32>
        %parallel_loop3A_161 = tpu.bitcast %parallel_loop3A_160 : vector<16xi32> -> vector<16xf32>
        %parallel_loop3A_162 = arith.constant 16 : i32
        %parallel_loop3A_163 = vector.broadcast %parallel_loop3A_162 : i32 to vector<16xi32>
        %parallel_loop3A_164 = arith.shli %parallel_loop3A_155, %parallel_loop3A_163 : vector<16xi32>
        %parallel_loop3A_165 = tpu.bitcast %parallel_loop3A_164 : vector<16xi32> -> vector<16xf32>
        %parallel_loop3A_166 = arith.mulf %parallel_loop3A_156, %parallel_loop3A_157 : vector<16xf32>
        %parallel_loop3A_167 = arith.mulf %parallel_loop3A_161, %parallel_loop3A_165 : vector<16xf32>
        %parallel_loop3A_168 = arith.addf %parallel_loop3A_166, %parallel_loop3A_167 : vector<16xf32>
        %parallel_loop3A_169 = arith.index_cast %parallel_loop3A_126 : i32 to index
        %parallel_loop3A_170 = arith.constant 32 : index
        %parallel_loop3A_171 = tpu.vector_load %arg13[%parallel_loop3A_169, %parallel_loop3A_170] {strides = array<i32>} : memref<80x64xi32, #tpu.memory_space<vmem>>, vector<1x16xi32>,
        %parallel_loop3A_172 = vector.shape_cast %parallel_loop3A_171 : vector<1x16xi32> to vector<16xi32>
        %parallel_loop3A_173 = arith.index_cast %parallel_loop3A_126 : i32 to index
        %parallel_loop3A_174 = arith.constant 32 : index
        %parallel_loop3A_175 = tpu.vector_load %arg14[%parallel_loop3A_173, %parallel_loop3A_174] {strides = array<i32>} : memref<80x64xi32, #tpu.memory_space<vmem>>, vector<1x16xi32>,
        %parallel_loop3A_176 = vector.shape_cast %parallel_loop3A_175 : vector<1x16xi32> to vector<16xi32>
        %parallel_loop3A_177 = tpu.bitcast %parallel_loop3A_172 : vector<16xi32> -> vector<16xf32>
        %parallel_loop3A_178 = tpu.bitcast %parallel_loop3A_176 : vector<16xi32> -> vector<16xf32>
        %parallel_loop3A_179 = arith.constant 16 : i32
        %parallel_loop3A_180 = vector.broadcast %parallel_loop3A_179 : i32 to vector<16xi32>
        %parallel_loop3A_181 = arith.shli %parallel_loop3A_172, %parallel_loop3A_180 : vector<16xi32>
        %parallel_loop3A_182 = tpu.bitcast %parallel_loop3A_181 : vector<16xi32> -> vector<16xf32>
        %parallel_loop3A_183 = arith.constant 16 : i32
        %parallel_loop3A_184 = vector.broadcast %parallel_loop3A_183 : i32 to vector<16xi32>
        %parallel_loop3A_185 = arith.shli %parallel_loop3A_176, %parallel_loop3A_184 : vector<16xi32>
        %parallel_loop3A_186 = tpu.bitcast %parallel_loop3A_185 : vector<16xi32> -> vector<16xf32>
        %parallel_loop3A_187 = arith.mulf %parallel_loop3A_177, %parallel_loop3A_178 : vector<16xf32>
        %parallel_loop3A_188 = arith.mulf %parallel_loop3A_182, %parallel_loop3A_186 : vector<16xf32>
        %parallel_loop3A_189 = arith.addf %parallel_loop3A_187, %parallel_loop3A_188 : vector<16xf32>
        %parallel_loop3A_190 = arith.index_cast %parallel_loop3A_126 : i32 to index
        %parallel_loop3A_191 = arith.constant 48 : index
        %parallel_loop3A_192 = tpu.vector_load %arg13[%parallel_loop3A_190, %parallel_loop3A_191] {strides = array<i32>} : memref<80x64xi32, #tpu.memory_space<vmem>>, vector<1x16xi32>,
        %parallel_loop3A_193 = vector.shape_cast %parallel_loop3A_192 : vector<1x16xi32> to vector<16xi32>
        %parallel_loop3A_194 = arith.index_cast %parallel_loop3A_126 : i32 to index
        %parallel_loop3A_195 = arith.constant 48 : index
        %parallel_loop3A_196 = tpu.vector_load %arg14[%parallel_loop3A_194, %parallel_loop3A_195] {strides = array<i32>} : memref<80x64xi32, #tpu.memory_space<vmem>>, vector<1x16xi32>,
        %parallel_loop3A_197 = vector.shape_cast %parallel_loop3A_196 : vector<1x16xi32> to vector<16xi32>
        %parallel_loop3A_198 = tpu.bitcast %parallel_loop3A_193 : vector<16xi32> -> vector<16xf32>
        %parallel_loop3A_199 = tpu.bitcast %parallel_loop3A_197 : vector<16xi32> -> vector<16xf32>
        %parallel_loop3A_200 = arith.constant 16 : i32
        %parallel_loop3A_201 = vector.broadcast %parallel_loop3A_200 : i32 to vector<16xi32>
        %parallel_loop3A_202 = arith.shli %parallel_loop3A_193, %parallel_loop3A_201 : vector<16xi32>
        %parallel_loop3A_203 = tpu.bitcast %parallel_loop3A_202 : vector<16xi32> -> vector<16xf32>
        %parallel_loop3A_204 = arith.constant 16 : i32
        %parallel_loop3A_205 = vector.broadcast %parallel_loop3A_204 : i32 to vector<16xi32>
        %parallel_loop3A_206 = arith.shli %parallel_loop3A_197, %parallel_loop3A_205 : vector<16xi32>
        %parallel_loop3A_207 = tpu.bitcast %parallel_loop3A_206 : vector<16xi32> -> vector<16xf32>
        %parallel_loop3A_208 = arith.mulf %parallel_loop3A_198, %parallel_loop3A_199 : vector<16xf32>
        %parallel_loop3A_209 = arith.mulf %parallel_loop3A_203, %parallel_loop3A_207 : vector<16xf32>
        %parallel_loop3A_210 = arith.addf %parallel_loop3A_208, %parallel_loop3A_209 : vector<16xf32>
        %parallel_loop3A_211 = arith.addf %parallel_loop3A_147, %parallel_loop3A_168 : vector<16xf32>
        %parallel_loop3A_212 = arith.addf %parallel_loop3A_189, %parallel_loop3A_210 : vector<16xf32>
        %parallel_loop3A_213 = arith.addf %parallel_loop3A_211, %parallel_loop3A_212 : vector<16xf32>
        %parallel_loop3A_214 = tpu.iota {dimensions = array<i32: 0>} : vector<16xi32>
        %parallel_loop3A_215 = arith.constant 8 : i32
        %parallel_loop3A_216 = vector.broadcast %parallel_loop3A_215 : i32 to vector<16xi32>
        %parallel_loop3A_217 = arith.xori %parallel_loop3A_214, %parallel_loop3A_216 : vector<16xi32>
        %parallel_loop3A_218 = vector.shape_cast %parallel_loop3A_217 : vector<16xi32> to vector<16x1xi32>
        %parallel_loop3A_219 = vector.shape_cast %parallel_loop3A_218 : vector<16x1xi32> to vector<16xi32>
        %parallel_loop3A_220 = tpu.dynamic_gather %parallel_loop3A_213[%parallel_loop3A_219] in [0] : vector<16xf32>, vector<16xi32> -> vector<16xf32>
        %parallel_loop3A_221 = arith.addf %parallel_loop3A_213, %parallel_loop3A_220 : vector<16xf32>
        %parallel_loop3A_222 = arith.constant 4 : i32
        %parallel_loop3A_223 = vector.broadcast %parallel_loop3A_222 : i32 to vector<16xi32>
        %parallel_loop3A_224 = arith.xori %parallel_loop3A_214, %parallel_loop3A_223 : vector<16xi32>
        %parallel_loop3A_225 = vector.shape_cast %parallel_loop3A_224 : vector<16xi32> to vector<16x1xi32>
        %parallel_loop3A_226 = vector.shape_cast %parallel_loop3A_225 : vector<16x1xi32> to vector<16xi32>
        %parallel_loop3A_227 = tpu.dynamic_gather %parallel_loop3A_221[%parallel_loop3A_226] in [0] : vector<16xf32>, vector<16xi32> -> vector<16xf32>
        %parallel_loop3A_228 = arith.addf %parallel_loop3A_221, %parallel_loop3A_227 : vector<16xf32>
        %parallel_loop3A_229 = arith.constant 2 : i32
        %parallel_loop3A_230 = vector.broadcast %parallel_loop3A_229 : i32 to vector<16xi32>
        %parallel_loop3A_231 = arith.xori %parallel_loop3A_214, %parallel_loop3A_230 : vector<16xi32>
        %parallel_loop3A_232 = vector.shape_cast %parallel_loop3A_231 : vector<16xi32> to vector<16x1xi32>
        %parallel_loop3A_233 = vector.shape_cast %parallel_loop3A_232 : vector<16x1xi32> to vector<16xi32>
        %parallel_loop3A_234 = tpu.dynamic_gather %parallel_loop3A_228[%parallel_loop3A_233] in [0] : vector<16xf32>, vector<16xi32> -> vector<16xf32>
        %parallel_loop3A_235 = arith.addf %parallel_loop3A_228, %parallel_loop3A_234 : vector<16xf32>
        %parallel_loop3A_236 = arith.constant 1 : i32
        %parallel_loop3A_237 = vector.broadcast %parallel_loop3A_236 : i32 to vector<16xi32>
        %parallel_loop3A_238 = arith.xori %parallel_loop3A_214, %parallel_loop3A_237 : vector<16xi32>
        %parallel_loop3A_239 = vector.shape_cast %parallel_loop3A_238 : vector<16xi32> to vector<16x1xi32>
        %parallel_loop3A_240 = vector.shape_cast %parallel_loop3A_239 : vector<16x1xi32> to vector<16xi32>
        %parallel_loop3A_241 = tpu.dynamic_gather %parallel_loop3A_235[%parallel_loop3A_240] in [0] : vector<16xf32>, vector<16xi32> -> vector<16xf32>
        %parallel_loop3A_242 = arith.addf %parallel_loop3A_235, %parallel_loop3A_241 : vector<16xf32>
        %parallel_loop3A_243 = arith.constant 16 : i32
        %parallel_loop3A_244 = arith.muli %parallel_loop3A_126, %parallel_loop3A_243 : i32
        %parallel_loop3A_245 = arith.index_cast %parallel_loop3A_244 : i32 to index
        %parallel_loop3A_246 = tpu.vector_load %arg15[%parallel_loop3A_245] {strides = array<i32>} : memref<1280xf32, #tpu.memory_space<vmem>>, vector<16xf32>,
        %parallel_loop3A_247 = vector.shape_cast %parallel_loop3A_246 : vector<16xf32> to vector<16xf32>
        %parallel_loop3A_248 = vector.shape_cast %parallel_loop3A_242 : vector<16xf32> to vector<16xf32>
        tpu.vector_store %arg15[%parallel_loop3A_245], %parallel_loop3A_248 {strides = array<i32>} : memref<1280xf32, #tpu.memory_space<vmem>>, vector<16xf32>,
      } {sc.loop_unroll_factor = 2 : i64, sc.parallel_access}
      %scan3A_118 = arith.constant 0 : i32
      %scan3A_119 = arith.constant 0 : i32
      %scan3A_120 = arith.constant 5 : i32
      %scan3A_121 = arith.addi %scan3A_119, %scan3A_120 : i32
      %scan3A_122 = arith.constant 1 : i32
      %scan3A_123 = scf.for %scan3A_126 = %scan3A_119 to %scan3A_121 step %scan3A_122 iter_args(%scan3A_127 = %scan3A_118) -> (i32)  : i32 {
        %broadcast_in_dim3A = arith.constant 0.000000e+00 : f32
        %broadcast_in_dim3A_128 = vector.broadcast %broadcast_in_dim3A : f32 to vector<16xf32>
        %eq3A = arith.constant 0 : i32
        %eq3A_129 = vector.broadcast %eq3A : i32 to vector<16xi32>
        %eq3A_130 = arith.cmpi eq, %iota3A_114, %eq3A_129 : vector<16xi32>
        %mul3A_131 = arith.constant 16 : i32
        %mul3A_132 = arith.muli %scan3A_126, %mul3A_131 : i32
        %add3A_133 = arith.constant 0 : i32
        %add3A_134 = arith.addi %mul3A_132, %add3A_133 : i32
        %mul3A_135 = arith.constant 16 : i32
        %mul3A_136 = arith.muli %add3A_134, %mul3A_135 : i32
        %get3A = arith.index_cast %mul3A_136 : i32 to index
        %get3A_137 = tpu.vector_load %arg15[%get3A] {strides = array<i32>} : memref<1280xf32, #tpu.memory_space<vmem>>, vector<16xf32>,
        %get3A_138 = vector.shape_cast %get3A_137 : vector<16xf32> to vector<16xf32>
        %select_n3A = arith.select %eq3A_130, %get3A_138, %broadcast_in_dim3A_128 : vector<16xi1>, vector<16xf32>
        %eq3A_139 = arith.constant 1 : i32
        %eq3A_140 = vector.broadcast %eq3A_139 : i32 to vector<16xi32>
        %eq3A_141 = arith.cmpi eq, %iota3A_114, %eq3A_140 : vector<16xi32>
        %mul3A_142 = arith.constant 16 : i32
        %mul3A_143 = arith.muli %scan3A_126, %mul3A_142 : i32
        %add3A_144 = arith.constant 1 : i32
        %add3A_145 = arith.addi %mul3A_143, %add3A_144 : i32
        %mul3A_146 = arith.constant 16 : i32
        %mul3A_147 = arith.muli %add3A_145, %mul3A_146 : i32
        %get3A_148 = arith.index_cast %mul3A_147 : i32 to index
        %get3A_149 = tpu.vector_load %arg15[%get3A_148] {strides = array<i32>} : memref<1280xf32, #tpu.memory_space<vmem>>, vector<16xf32>,
        %get3A_150 = vector.shape_cast %get3A_149 : vector<16xf32> to vector<16xf32>
        %select_n3A_151 = arith.select %eq3A_141, %get3A_150, %select_n3A : vector<16xi1>, vector<16xf32>
        %eq3A_152 = arith.constant 2 : i32
        %eq3A_153 = vector.broadcast %eq3A_152 : i32 to vector<16xi32>
        %eq3A_154 = arith.cmpi eq, %iota3A_114, %eq3A_153 : vector<16xi32>
        %mul3A_155 = arith.constant 16 : i32
        %mul3A_156 = arith.muli %scan3A_126, %mul3A_155 : i32
        %add3A_157 = arith.constant 2 : i32
        %add3A_158 = arith.addi %mul3A_156, %add3A_157 : i32
        %mul3A_159 = arith.constant 16 : i32
        %mul3A_160 = arith.muli %add3A_158, %mul3A_159 : i32
        %get3A_161 = arith.index_cast %mul3A_160 : i32 to index
        %get3A_162 = tpu.vector_load %arg15[%get3A_161] {strides = array<i32>} : memref<1280xf32, #tpu.memory_space<vmem>>, vector<16xf32>,
        %get3A_163 = vector.shape_cast %get3A_162 : vector<16xf32> to vector<16xf32>
        %select_n3A_164 = arith.select %eq3A_154, %get3A_163, %select_n3A_151 : vector<16xi1>, vector<16xf32>
        %eq3A_165 = arith.constant 3 : i32
        %eq3A_166 = vector.broadcast %eq3A_165 : i32 to vector<16xi32>
        %eq3A_167 = arith.cmpi eq, %iota3A_114, %eq3A_166 : vector<16xi32>
        %mul3A_168 = arith.constant 16 : i32
        %mul3A_169 = arith.muli %scan3A_126, %mul3A_168 : i32
        %add3A_170 = arith.constant 3 : i32
        %add3A_171 = arith.addi %mul3A_169, %add3A_170 : i32
        %mul3A_172 = arith.constant 16 : i32
        %mul3A_173 = arith.muli %add3A_171, %mul3A_172 : i32
        %get3A_174 = arith.index_cast %mul3A_173 : i32 to index
        %get3A_175 = tpu.vector_load %arg15[%get3A_174] {strides = array<i32>} : memref<1280xf32, #tpu.memory_space<vmem>>, vector<16xf32>,
        %get3A_176 = vector.shape_cast %get3A_175 : vector<16xf32> to vector<16xf32>
        %select_n3A_177 = arith.select %eq3A_167, %get3A_176, %select_n3A_164 : vector<16xi1>, vector<16xf32>
        %eq3A_178 = arith.constant 4 : i32
        %eq3A_179 = vector.broadcast %eq3A_178 : i32 to vector<16xi32>
        %eq3A_180 = arith.cmpi eq, %iota3A_114, %eq3A_179 : vector<16xi32>
        %mul3A_181 = arith.constant 16 : i32
        %mul3A_182 = arith.muli %scan3A_126, %mul3A_181 : i32
        %add3A_183 = arith.constant 4 : i32
        %add3A_184 = arith.addi %mul3A_182, %add3A_183 : i32
        %mul3A_185 = arith.constant 16 : i32
        %mul3A_186 = arith.muli %add3A_184, %mul3A_185 : i32
        %get3A_187 = arith.index_cast %mul3A_186 : i32 to index
        %get3A_188 = tpu.vector_load %arg15[%get3A_187] {strides = array<i32>} : memref<1280xf32, #tpu.memory_space<vmem>>, vector<16xf32>,
        %get3A_189 = vector.shape_cast %get3A_188 : vector<16xf32> to vector<16xf32>
        %select_n3A_190 = arith.select %eq3A_180, %get3A_189, %select_n3A_177 : vector<16xi1>, vector<16xf32>
        %eq3A_191 = arith.constant 5 : i32
        %eq3A_192 = vector.broadcast %eq3A_191 : i32 to vector<16xi32>
        %eq3A_193 = arith.cmpi eq, %iota3A_114, %eq3A_192 : vector<16xi32>
        %mul3A_194 = arith.constant 16 : i32
        %mul3A_195 = arith.muli %scan3A_126, %mul3A_194 : i32
        %add3A_196 = arith.constant 5 : i32
        %add3A_197 = arith.addi %mul3A_195, %add3A_196 : i32
        %mul3A_198 = arith.constant 16 : i32
        %mul3A_199 = arith.muli %add3A_197, %mul3A_198 : i32
        %get3A_200 = arith.index_cast %mul3A_199 : i32 to index
        %get3A_201 = tpu.vector_load %arg15[%get3A_200] {strides = array<i32>} : memref<1280xf32, #tpu.memory_space<vmem>>, vector<16xf32>,
        %get3A_202 = vector.shape_cast %get3A_201 : vector<16xf32> to vector<16xf32>
        %select_n3A_203 = arith.select %eq3A_193, %get3A_202, %select_n3A_190 : vector<16xi1>, vector<16xf32>
        %eq3A_204 = arith.constant 6 : i32
        %eq3A_205 = vector.broadcast %eq3A_204 : i32 to vector<16xi32>
        %eq3A_206 = arith.cmpi eq, %iota3A_114, %eq3A_205 : vector<16xi32>
        %mul3A_207 = arith.constant 16 : i32
        %mul3A_208 = arith.muli %scan3A_126, %mul3A_207 : i32
        %add3A_209 = arith.constant 6 : i32
        %add3A_210 = arith.addi %mul3A_208, %add3A_209 : i32
        %mul3A_211 = arith.constant 16 : i32
        %mul3A_212 = arith.muli %add3A_210, %mul3A_211 : i32
        %get3A_213 = arith.index_cast %mul3A_212 : i32 to index
        %get3A_214 = tpu.vector_load %arg15[%get3A_213] {strides = array<i32>} : memref<1280xf32, #tpu.memory_space<vmem>>, vector<16xf32>,
        %get3A_215 = vector.shape_cast %get3A_214 : vector<16xf32> to vector<16xf32>
        %select_n3A_216 = arith.select %eq3A_206, %get3A_215, %select_n3A_203 : vector<16xi1>, vector<16xf32>
        %eq3A_217 = arith.constant 7 : i32
        %eq3A_218 = vector.broadcast %eq3A_217 : i32 to vector<16xi32>
        %eq3A_219 = arith.cmpi eq, %iota3A_114, %eq3A_218 : vector<16xi32>
        %mul3A_220 = arith.constant 16 : i32
        %mul3A_221 = arith.muli %scan3A_126, %mul3A_220 : i32
        %add3A_222 = arith.constant 7 : i32
        %add3A_223 = arith.addi %mul3A_221, %add3A_222 : i32
        %mul3A_224 = arith.constant 16 : i32
        %mul3A_225 = arith.muli %add3A_223, %mul3A_224 : i32
        %get3A_226 = arith.index_cast %mul3A_225 : i32 to index
        %get3A_227 = tpu.vector_load %arg15[%get3A_226] {strides = array<i32>} : memref<1280xf32, #tpu.memory_space<vmem>>, vector<16xf32>,
        %get3A_228 = vector.shape_cast %get3A_227 : vector<16xf32> to vector<16xf32>
        %select_n3A_229 = arith.select %eq3A_219, %get3A_228, %select_n3A_216 : vector<16xi1>, vector<16xf32>
        %eq3A_230 = arith.constant 8 : i32
        %eq3A_231 = vector.broadcast %eq3A_230 : i32 to vector<16xi32>
        %eq3A_232 = arith.cmpi eq, %iota3A_114, %eq3A_231 : vector<16xi32>
        %mul3A_233 = arith.constant 16 : i32
        %mul3A_234 = arith.muli %scan3A_126, %mul3A_233 : i32
        %add3A_235 = arith.constant 8 : i32
        %add3A_236 = arith.addi %mul3A_234, %add3A_235 : i32
        %mul3A_237 = arith.constant 16 : i32
        %mul3A_238 = arith.muli %add3A_236, %mul3A_237 : i32
        %get3A_239 = arith.index_cast %mul3A_238 : i32 to index
        %get3A_240 = tpu.vector_load %arg15[%get3A_239] {strides = array<i32>} : memref<1280xf32, #tpu.memory_space<vmem>>, vector<16xf32>,
        %get3A_241 = vector.shape_cast %get3A_240 : vector<16xf32> to vector<16xf32>
        %select_n3A_242 = arith.select %eq3A_232, %get3A_241, %select_n3A_229 : vector<16xi1>, vector<16xf32>
        %eq3A_243 = arith.constant 9 : i32
        %eq3A_244 = vector.broadcast %eq3A_243 : i32 to vector<16xi32>
        %eq3A_245 = arith.cmpi eq, %iota3A_114, %eq3A_244 : vector<16xi32>
        %mul3A_246 = arith.constant 16 : i32
        %mul3A_247 = arith.muli %scan3A_126, %mul3A_246 : i32
        %add3A_248 = arith.constant 9 : i32
        %add3A_249 = arith.addi %mul3A_247, %add3A_248 : i32
        %mul3A_250 = arith.constant 16 : i32
        %mul3A_251 = arith.muli %add3A_249, %mul3A_250 : i32
        %get3A_252 = arith.index_cast %mul3A_251 : i32 to index
        %get3A_253 = tpu.vector_load %arg15[%get3A_252] {strides = array<i32>} : memref<1280xf32, #tpu.memory_space<vmem>>, vector<16xf32>,
        %get3A_254 = vector.shape_cast %get3A_253 : vector<16xf32> to vector<16xf32>
        %select_n3A_255 = arith.select %eq3A_245, %get3A_254, %select_n3A_242 : vector<16xi1>, vector<16xf32>
        %eq3A_256 = arith.constant 10 : i32
        %eq3A_257 = vector.broadcast %eq3A_256 : i32 to vector<16xi32>
        %eq3A_258 = arith.cmpi eq, %iota3A_114, %eq3A_257 : vector<16xi32>
        %mul3A_259 = arith.constant 16 : i32
        %mul3A_260 = arith.muli %scan3A_126, %mul3A_259 : i32
        %add3A_261 = arith.constant 10 : i32
        %add3A_262 = arith.addi %mul3A_260, %add3A_261 : i32
        %mul3A_263 = arith.constant 16 : i32
        %mul3A_264 = arith.muli %add3A_262, %mul3A_263 : i32
        %get3A_265 = arith.index_cast %mul3A_264 : i32 to index
        %get3A_266 = tpu.vector_load %arg15[%get3A_265] {strides = array<i32>} : memref<1280xf32, #tpu.memory_space<vmem>>, vector<16xf32>,
        %get3A_267 = vector.shape_cast %get3A_266 : vector<16xf32> to vector<16xf32>
        %select_n3A_268 = arith.select %eq3A_258, %get3A_267, %select_n3A_255 : vector<16xi1>, vector<16xf32>
        %eq3A_269 = arith.constant 11 : i32
        %eq3A_270 = vector.broadcast %eq3A_269 : i32 to vector<16xi32>
        %eq3A_271 = arith.cmpi eq, %iota3A_114, %eq3A_270 : vector<16xi32>
        %mul3A_272 = arith.constant 16 : i32
        %mul3A_273 = arith.muli %scan3A_126, %mul3A_272 : i32
        %add3A_274 = arith.constant 11 : i32
        %add3A_275 = arith.addi %mul3A_273, %add3A_274 : i32
        %mul3A_276 = arith.constant 16 : i32
        %mul3A_277 = arith.muli %add3A_275, %mul3A_276 : i32
        %get3A_278 = arith.index_cast %mul3A_277 : i32 to index
        %get3A_279 = tpu.vector_load %arg15[%get3A_278] {strides = array<i32>} : memref<1280xf32, #tpu.memory_space<vmem>>, vector<16xf32>,
        %get3A_280 = vector.shape_cast %get3A_279 : vector<16xf32> to vector<16xf32>
        %select_n3A_281 = arith.select %eq3A_271, %get3A_280, %select_n3A_268 : vector<16xi1>, vector<16xf32>
        %eq3A_282 = arith.constant 12 : i32
        %eq3A_283 = vector.broadcast %eq3A_282 : i32 to vector<16xi32>
        %eq3A_284 = arith.cmpi eq, %iota3A_114, %eq3A_283 : vector<16xi32>
        %mul3A_285 = arith.constant 16 : i32
        %mul3A_286 = arith.muli %scan3A_126, %mul3A_285 : i32
        %add3A_287 = arith.constant 12 : i32
        %add3A_288 = arith.addi %mul3A_286, %add3A_287 : i32
        %mul3A_289 = arith.constant 16 : i32
        %mul3A_290 = arith.muli %add3A_288, %mul3A_289 : i32
        %get3A_291 = arith.index_cast %mul3A_290 : i32 to index
        %get3A_292 = tpu.vector_load %arg15[%get3A_291] {strides = array<i32>} : memref<1280xf32, #tpu.memory_space<vmem>>, vector<16xf32>,
        %get3A_293 = vector.shape_cast %get3A_292 : vector<16xf32> to vector<16xf32>
        %select_n3A_294 = arith.select %eq3A_284, %get3A_293, %select_n3A_281 : vector<16xi1>, vector<16xf32>
        %eq3A_295 = arith.constant 13 : i32
        %eq3A_296 = vector.broadcast %eq3A_295 : i32 to vector<16xi32>
        %eq3A_297 = arith.cmpi eq, %iota3A_114, %eq3A_296 : vector<16xi32>
        %mul3A_298 = arith.constant 16 : i32
        %mul3A_299 = arith.muli %scan3A_126, %mul3A_298 : i32
        %add3A_300 = arith.constant 13 : i32
        %add3A_301 = arith.addi %mul3A_299, %add3A_300 : i32
        %mul3A_302 = arith.constant 16 : i32
        %mul3A_303 = arith.muli %add3A_301, %mul3A_302 : i32
        %get3A_304 = arith.index_cast %mul3A_303 : i32 to index
        %get3A_305 = tpu.vector_load %arg15[%get3A_304] {strides = array<i32>} : memref<1280xf32, #tpu.memory_space<vmem>>, vector<16xf32>,
        %get3A_306 = vector.shape_cast %get3A_305 : vector<16xf32> to vector<16xf32>
        %select_n3A_307 = arith.select %eq3A_297, %get3A_306, %select_n3A_294 : vector<16xi1>, vector<16xf32>
        %eq3A_308 = arith.constant 14 : i32
        %eq3A_309 = vector.broadcast %eq3A_308 : i32 to vector<16xi32>
        %eq3A_310 = arith.cmpi eq, %iota3A_114, %eq3A_309 : vector<16xi32>
        %mul3A_311 = arith.constant 16 : i32
        %mul3A_312 = arith.muli %scan3A_126, %mul3A_311 : i32
        %add3A_313 = arith.constant 14 : i32
        %add3A_314 = arith.addi %mul3A_312, %add3A_313 : i32
        %mul3A_315 = arith.constant 16 : i32
        %mul3A_316 = arith.muli %add3A_314, %mul3A_315 : i32
        %get3A_317 = arith.index_cast %mul3A_316 : i32 to index
        %get3A_318 = tpu.vector_load %arg15[%get3A_317] {strides = array<i32>} : memref<1280xf32, #tpu.memory_space<vmem>>, vector<16xf32>,
        %get3A_319 = vector.shape_cast %get3A_318 : vector<16xf32> to vector<16xf32>
        %select_n3A_320 = arith.select %eq3A_310, %get3A_319, %select_n3A_307 : vector<16xi1>, vector<16xf32>
        %eq3A_321 = arith.constant 15 : i32
        %eq3A_322 = vector.broadcast %eq3A_321 : i32 to vector<16xi32>
        %eq3A_323 = arith.cmpi eq, %iota3A_114, %eq3A_322 : vector<16xi32>
        %mul3A_324 = arith.constant 16 : i32
        %mul3A_325 = arith.muli %scan3A_126, %mul3A_324 : i32
        %add3A_326 = arith.constant 15 : i32
        %add3A_327 = arith.addi %mul3A_325, %add3A_326 : i32
        %mul3A_328 = arith.constant 16 : i32
        %mul3A_329 = arith.muli %add3A_327, %mul3A_328 : i32
        %get3A_330 = arith.index_cast %mul3A_329 : i32 to index
        %get3A_331 = tpu.vector_load %arg15[%get3A_330] {strides = array<i32>} : memref<1280xf32, #tpu.memory_space<vmem>>, vector<16xf32>,
        %get3A_332 = vector.shape_cast %get3A_331 : vector<16xf32> to vector<16xf32>
        %select_n3A_333 = arith.select %eq3A_323, %get3A_332, %select_n3A_320 : vector<16xi1>, vector<16xf32>
        %mul3A_334 = arith.constant 16 : i32
        %mul3A_335 = arith.muli %scan3A_126, %mul3A_334 : i32
        %add3A_336 = arith.addi %mul3A_113, %mul3A_335 : i32
        %swap3A = arith.index_cast %add3A_336 : i32 to index
        %swap3A_337 = tpu.vector_load %arg16[%swap3A] {strides = array<i32>} : memref<10000xf32, #tpu.memory_space<vmem>>, vector<16xf32>,
        %swap3A_338 = vector.shape_cast %swap3A_337 : vector<16xf32> to vector<16xf32>
        %swap3A_339 = vector.shape_cast %select_n3A_333 : vector<16xf32> to vector<16xf32>
        tpu.vector_store %arg16[%swap3A], %swap3A_339 {strides = array<i32>} : memref<10000xf32, #tpu.memory_space<vmem>>, vector<16xf32>,
        %scan3A_340 = arith.constant 0 : i32
        scf.yield %scan3A_340 : i32
      }
      %scan3A_124 = arith.constant 5 : i32
      %scan3A_125 = arith.constant 0 : i32
      scf.yield %scan3A_125 : i32
    }
    %scan3A_27 = arith.constant 62 : i32
    %dma_wait3A = arith.constant 0 : i32
    %dma_wait3A_28 = arith.constant 0 : i32
    %dma_wait3A_29 = tpu.memref_slice %arg17[%dma_wait3A, %dma_wait3A_28] : memref<10000x64xi32, #tpu.memory_space<vmem_shared>> -> memref<10000x64xi32, #tpu.memory_space<vmem_shared>>
    tpu.wait_indirect_dma semaphore(%arg21 : memref<!tpu.dma_semaphore, #tpu.memory_space<semaphore_mem>>) src(%dma_wait3A_29 : memref<10000x64xi32, #tpu.memory_space<vmem_shared>>) dst(%arg11 : memref<80x64xi32, #tpu.memory_space<vmem>>)
    %dma_wait3A_30 = arith.constant 0 : i32
    %dma_wait3A_31 = arith.constant 0 : i32
    %dma_wait3A_32 = tpu.memref_slice %arg18[%dma_wait3A_30, %dma_wait3A_31] : memref<10000x64xi32, #tpu.memory_space<vmem_shared>> -> memref<10000x64xi32, #tpu.memory_space<vmem_shared>>
    tpu.wait_indirect_dma semaphore(%arg22 : memref<!tpu.dma_semaphore, #tpu.memory_space<semaphore_mem>>) src(%dma_wait3A_32 : memref<10000x64xi32, #tpu.memory_space<vmem_shared>>) dst(%arg12 : memref<80x64xi32, #tpu.memory_space<vmem>>)
    %iota3A = tpu.iota {dimensions = array<i32: 0>} : vector<16xi32>
    %parallel_loop3A = arith.constant 0 : i32
    %parallel_loop3A_33 = arith.constant 80 : i32
    %parallel_loop3A_34 = arith.constant 1 : i32
    scf.for %parallel_loop3A_42 = %parallel_loop3A to %parallel_loop3A_33 step %parallel_loop3A_34  : i32 {
      %parallel_loop3A_43 = arith.index_cast %parallel_loop3A_42 : i32 to index
      %parallel_loop3A_44 = arith.constant 0 : index
      %parallel_loop3A_45 = tpu.vector_load %arg11[%parallel_loop3A_43, %parallel_loop3A_44] {strides = array<i32>} : memref<80x64xi32, #tpu.memory_space<vmem>>, vector<1x16xi32>,
      %parallel_loop3A_46 = vector.shape_cast %parallel_loop3A_45 : vector<1x16xi32> to vector<16xi32>
      %parallel_loop3A_47 = arith.index_cast %parallel_loop3A_42 : i32 to index
      %parallel_loop3A_48 = arith.constant 0 : index
      %parallel_loop3A_49 = tpu.vector_load %arg12[%parallel_loop3A_47, %parallel_loop3A_48] {strides = array<i32>} : memref<80x64xi32, #tpu.memory_space<vmem>>, vector<1x16xi32>,
      %parallel_loop3A_50 = vector.shape_cast %parallel_loop3A_49 : vector<1x16xi32> to vector<16xi32>
      %parallel_loop3A_51 = tpu.bitcast %parallel_loop3A_46 : vector<16xi32> -> vector<16xf32>
      %parallel_loop3A_52 = tpu.bitcast %parallel_loop3A_50 : vector<16xi32> -> vector<16xf32>
      %parallel_loop3A_53 = arith.constant 16 : i32
      %parallel_loop3A_54 = vector.broadcast %parallel_loop3A_53 : i32 to vector<16xi32>
      %parallel_loop3A_55 = arith.shli %parallel_loop3A_46, %parallel_loop3A_54 : vector<16xi32>
      %parallel_loop3A_56 = tpu.bitcast %parallel_loop3A_55 : vector<16xi32> -> vector<16xf32>
      %parallel_loop3A_57 = arith.constant 16 : i32
      %parallel_loop3A_58 = vector.broadcast %parallel_loop3A_57 : i32 to vector<16xi32>
      %parallel_loop3A_59 = arith.shli %parallel_loop3A_50, %parallel_loop3A_58 : vector<16xi32>
      %parallel_loop3A_60 = tpu.bitcast %parallel_loop3A_59 : vector<16xi32> -> vector<16xf32>
      %parallel_loop3A_61 = arith.mulf %parallel_loop3A_51, %parallel_loop3A_52 : vector<16xf32>
      %parallel_loop3A_62 = arith.mulf %parallel_loop3A_56, %parallel_loop3A_60 : vector<16xf32>
      %parallel_loop3A_63 = arith.addf %parallel_loop3A_61, %parallel_loop3A_62 : vector<16xf32>
      %parallel_loop3A_64 = arith.index_cast %parallel_loop3A_42 : i32 to index
      %parallel_loop3A_65 = arith.constant 16 : index
      %parallel_loop3A_66 = tpu.vector_load %arg11[%parallel_loop3A_64, %parallel_loop3A_65] {strides = array<i32>} : memref<80x64xi32, #tpu.memory_space<vmem>>, vector<1x16xi32>,
      %parallel_loop3A_67 = vector.shape_cast %parallel_loop3A_66 : vector<1x16xi32> to vector<16xi32>
      %parallel_loop3A_68 = arith.index_cast %parallel_loop3A_42 : i32 to index
      %parallel_loop3A_69 = arith.constant 16 : index
      %parallel_loop3A_70 = tpu.vector_load %arg12[%parallel_loop3A_68, %parallel_loop3A_69] {strides = array<i32>} : memref<80x64xi32, #tpu.memory_space<vmem>>, vector<1x16xi32>,
      %parallel_loop3A_71 = vector.shape_cast %parallel_loop3A_70 : vector<1x16xi32> to vector<16xi32>
      %parallel_loop3A_72 = tpu.bitcast %parallel_loop3A_67 : vector<16xi32> -> vector<16xf32>
      %parallel_loop3A_73 = tpu.bitcast %parallel_loop3A_71 : vector<16xi32> -> vector<16xf32>
      %parallel_loop3A_74 = arith.constant 16 : i32
      %parallel_loop3A_75 = vector.broadcast %parallel_loop3A_74 : i32 to vector<16xi32>
      %parallel_loop3A_76 = arith.shli %parallel_loop3A_67, %parallel_loop3A_75 : vector<16xi32>
      %parallel_loop3A_77 = tpu.bitcast %parallel_loop3A_76 : vector<16xi32> -> vector<16xf32>
      %parallel_loop3A_78 = arith.constant 16 : i32
      %parallel_loop3A_79 = vector.broadcast %parallel_loop3A_78 : i32 to vector<16xi32>
      %parallel_loop3A_80 = arith.shli %parallel_loop3A_71, %parallel_loop3A_79 : vector<16xi32>
      %parallel_loop3A_81 = tpu.bitcast %parallel_loop3A_80 : vector<16xi32> -> vector<16xf32>
      %parallel_loop3A_82 = arith.mulf %parallel_loop3A_72, %parallel_loop3A_73 : vector<16xf32>
      %parallel_loop3A_83 = arith.mulf %parallel_loop3A_77, %parallel_loop3A_81 : vector<16xf32>
      %parallel_loop3A_84 = arith.addf %parallel_loop3A_82, %parallel_loop3A_83 : vector<16xf32>
      %parallel_loop3A_85 = arith.index_cast %parallel_loop3A_42 : i32 to index
      %parallel_loop3A_86 = arith.constant 32 : index
      %parallel_loop3A_87 = tpu.vector_load %arg11[%parallel_loop3A_85, %parallel_loop3A_86] {strides = array<i32>} : memref<80x64xi32, #tpu.memory_space<vmem>>, vector<1x16xi32>,
      %parallel_loop3A_88 = vector.shape_cast %parallel_loop3A_87 : vector<1x16xi32> to vector<16xi32>
      %parallel_loop3A_89 = arith.index_cast %parallel_loop3A_42 : i32 to index
      %parallel_loop3A_90 = arith.constant 32 : index
      %parallel_loop3A_91 = tpu.vector_load %arg12[%parallel_loop3A_89, %parallel_loop3A_90] {strides = array<i32>} : memref<80x64xi32, #tpu.memory_space<vmem>>, vector<1x16xi32>,
      %parallel_loop3A_92 = vector.shape_cast %parallel_loop3A_91 : vector<1x16xi32> to vector<16xi32>
      %parallel_loop3A_93 = tpu.bitcast %parallel_loop3A_88 : vector<16xi32> -> vector<16xf32>
      %parallel_loop3A_94 = tpu.bitcast %parallel_loop3A_92 : vector<16xi32> -> vector<16xf32>
      %parallel_loop3A_95 = arith.constant 16 : i32
      %parallel_loop3A_96 = vector.broadcast %parallel_loop3A_95 : i32 to vector<16xi32>
      %parallel_loop3A_97 = arith.shli %parallel_loop3A_88, %parallel_loop3A_96 : vector<16xi32>
      %parallel_loop3A_98 = tpu.bitcast %parallel_loop3A_97 : vector<16xi32> -> vector<16xf32>
      %parallel_loop3A_99 = arith.constant 16 : i32
      %parallel_loop3A_100 = vector.broadcast %parallel_loop3A_99 : i32 to vector<16xi32>
      %parallel_loop3A_101 = arith.shli %parallel_loop3A_92, %parallel_loop3A_100 : vector<16xi32>
      %parallel_loop3A_102 = tpu.bitcast %parallel_loop3A_101 : vector<16xi32> -> vector<16xf32>
      %parallel_loop3A_103 = arith.mulf %parallel_loop3A_93, %parallel_loop3A_94 : vector<16xf32>
      %parallel_loop3A_104 = arith.mulf %parallel_loop3A_98, %parallel_loop3A_102 : vector<16xf32>
      %parallel_loop3A_105 = arith.addf %parallel_loop3A_103, %parallel_loop3A_104 : vector<16xf32>
      %parallel_loop3A_106 = arith.index_cast %parallel_loop3A_42 : i32 to index
      %parallel_loop3A_107 = arith.constant 48 : index
      %parallel_loop3A_108 = tpu.vector_load %arg11[%parallel_loop3A_106, %parallel_loop3A_107] {strides = array<i32>} : memref<80x64xi32, #tpu.memory_space<vmem>>, vector<1x16xi32>,
      %parallel_loop3A_109 = vector.shape_cast %parallel_loop3A_108 : vector<1x16xi32> to vector<16xi32>
      %parallel_loop3A_110 = arith.index_cast %parallel_loop3A_42 : i32 to index
      %parallel_loop3A_111 = arith.constant 48 : index
      %parallel_loop3A_112 = tpu.vector_load %arg12[%parallel_loop3A_110, %parallel_loop3A_111] {strides = array<i32>} : memref<80x64xi32, #tpu.memory_space<vmem>>, vector<1x16xi32>,
      %parallel_loop3A_113 = vector.shape_cast %parallel_loop3A_112 : vector<1x16xi32> to vector<16xi32>
      %parallel_loop3A_114 = tpu.bitcast %parallel_loop3A_109 : vector<16xi32> -> vector<16xf32>
      %parallel_loop3A_115 = tpu.bitcast %parallel_loop3A_113 : vector<16xi32> -> vector<16xf32>
      %parallel_loop3A_116 = arith.constant 16 : i32
      %parallel_loop3A_117 = vector.broadcast %parallel_loop3A_116 : i32 to vector<16xi32>
      %parallel_loop3A_118 = arith.shli %parallel_loop3A_109, %parallel_loop3A_117 : vector<16xi32>
      %parallel_loop3A_119 = tpu.bitcast %parallel_loop3A_118 : vector<16xi32> -> vector<16xf32>
      %parallel_loop3A_120 = arith.constant 16 : i32
      %parallel_loop3A_121 = vector.broadcast %parallel_loop3A_120 : i32 to vector<16xi32>
      %parallel_loop3A_122 = arith.shli %parallel_loop3A_113, %parallel_loop3A_121 : vector<16xi32>
      %parallel_loop3A_123 = tpu.bitcast %parallel_loop3A_122 : vector<16xi32> -> vector<16xf32>
      %parallel_loop3A_124 = arith.mulf %parallel_loop3A_114, %parallel_loop3A_115 : vector<16xf32>
      %parallel_loop3A_125 = arith.mulf %parallel_loop3A_119, %parallel_loop3A_123 : vector<16xf32>
      %parallel_loop3A_126 = arith.addf %parallel_loop3A_124, %parallel_loop3A_125 : vector<16xf32>
      %parallel_loop3A_127 = arith.addf %parallel_loop3A_63, %parallel_loop3A_84 : vector<16xf32>
      %parallel_loop3A_128 = arith.addf %parallel_loop3A_105, %parallel_loop3A_126 : vector<16xf32>
      %parallel_loop3A_129 = arith.addf %parallel_loop3A_127, %parallel_loop3A_128 : vector<16xf32>
      %parallel_loop3A_130 = tpu.iota {dimensions = array<i32: 0>} : vector<16xi32>
      %parallel_loop3A_131 = arith.constant 8 : i32
      %parallel_loop3A_132 = vector.broadcast %parallel_loop3A_131 : i32 to vector<16xi32>
      %parallel_loop3A_133 = arith.xori %parallel_loop3A_130, %parallel_loop3A_132 : vector<16xi32>
      %parallel_loop3A_134 = vector.shape_cast %parallel_loop3A_133 : vector<16xi32> to vector<16x1xi32>
      %parallel_loop3A_135 = vector.shape_cast %parallel_loop3A_134 : vector<16x1xi32> to vector<16xi32>
      %parallel_loop3A_136 = tpu.dynamic_gather %parallel_loop3A_129[%parallel_loop3A_135] in [0] : vector<16xf32>, vector<16xi32> -> vector<16xf32>
      %parallel_loop3A_137 = arith.addf %parallel_loop3A_129, %parallel_loop3A_136 : vector<16xf32>
      %parallel_loop3A_138 = arith.constant 4 : i32
      %parallel_loop3A_139 = vector.broadcast %parallel_loop3A_138 : i32 to vector<16xi32>
      %parallel_loop3A_140 = arith.xori %parallel_loop3A_130, %parallel_loop3A_139 : vector<16xi32>
      %parallel_loop3A_141 = vector.shape_cast %parallel_loop3A_140 : vector<16xi32> to vector<16x1xi32>
      %parallel_loop3A_142 = vector.shape_cast %parallel_loop3A_141 : vector<16x1xi32> to vector<16xi32>
      %parallel_loop3A_143 = tpu.dynamic_gather %parallel_loop3A_137[%parallel_loop3A_142] in [0] : vector<16xf32>, vector<16xi32> -> vector<16xf32>
      %parallel_loop3A_144 = arith.addf %parallel_loop3A_137, %parallel_loop3A_143 : vector<16xf32>
      %parallel_loop3A_145 = arith.constant 2 : i32
      %parallel_loop3A_146 = vector.broadcast %parallel_loop3A_145 : i32 to vector<16xi32>
      %parallel_loop3A_147 = arith.xori %parallel_loop3A_130, %parallel_loop3A_146 : vector<16xi32>
      %parallel_loop3A_148 = vector.shape_cast %parallel_loop3A_147 : vector<16xi32> to vector<16x1xi32>
      %parallel_loop3A_149 = vector.shape_cast %parallel_loop3A_148 : vector<16x1xi32> to vector<16xi32>
      %parallel_loop3A_150 = tpu.dynamic_gather %parallel_loop3A_144[%parallel_loop3A_149] in [0] : vector<16xf32>, vector<16xi32> -> vector<16xf32>
      %parallel_loop3A_151 = arith.addf %parallel_loop3A_144, %parallel_loop3A_150 : vector<16xf32>
      %parallel_loop3A_152 = arith.constant 1 : i32
      %parallel_loop3A_153 = vector.broadcast %parallel_loop3A_152 : i32 to vector<16xi32>
      %parallel_loop3A_154 = arith.xori %parallel_loop3A_130, %parallel_loop3A_153 : vector<16xi32>
      %parallel_loop3A_155 = vector.shape_cast %parallel_loop3A_154 : vector<16xi32> to vector<16x1xi32>
      %parallel_loop3A_156 = vector.shape_cast %parallel_loop3A_155 : vector<16x1xi32> to vector<16xi32>
      %parallel_loop3A_157 = tpu.dynamic_gather %parallel_loop3A_151[%parallel_loop3A_156] in [0] : vector<16xf32>, vector<16xi32> -> vector<16xf32>
      %parallel_loop3A_158 = arith.addf %parallel_loop3A_151, %parallel_loop3A_157 : vector<16xf32>
      %parallel_loop3A_159 = arith.constant 16 : i32
      %parallel_loop3A_160 = arith.muli %parallel_loop3A_42, %parallel_loop3A_159 : i32
      %parallel_loop3A_161 = arith.index_cast %parallel_loop3A_160 : i32 to index
      %parallel_loop3A_162 = tpu.vector_load %arg15[%parallel_loop3A_161] {strides = array<i32>} : memref<1280xf32, #tpu.memory_space<vmem>>, vector<16xf32>,
      %parallel_loop3A_163 = vector.shape_cast %parallel_loop3A_162 : vector<16xf32> to vector<16xf32>
      %parallel_loop3A_164 = vector.shape_cast %parallel_loop3A_158 : vector<16xf32> to vector<16xf32>
      tpu.vector_store %arg15[%parallel_loop3A_161], %parallel_loop3A_164 {strides = array<i32>} : memref<1280xf32, #tpu.memory_space<vmem>>, vector<16xf32>,
    } {sc.loop_unroll_factor = 2 : i64, sc.parallel_access}
    %scan3A_35 = arith.constant 0 : i32
    %scan3A_36 = arith.constant 0 : i32
    %scan3A_37 = arith.constant 5 : i32
    %scan3A_38 = arith.addi %scan3A_36, %scan3A_37 : i32
    %scan3A_39 = arith.constant 1 : i32
    %scan3A_40 = scf.for %scan3A_42 = %scan3A_36 to %scan3A_38 step %scan3A_39 iter_args(%scan3A_43 = %scan3A_35) -> (i32)  : i32 {
      %broadcast_in_dim3A = arith.constant 0.000000e+00 : f32
      %broadcast_in_dim3A_44 = vector.broadcast %broadcast_in_dim3A : f32 to vector<16xf32>
      %eq3A = arith.constant 0 : i32
      %eq3A_45 = vector.broadcast %eq3A : i32 to vector<16xi32>
      %eq3A_46 = arith.cmpi eq, %iota3A, %eq3A_45 : vector<16xi32>
      %mul3A_47 = arith.constant 16 : i32
      %mul3A_48 = arith.muli %scan3A_42, %mul3A_47 : i32
      %add3A_49 = arith.constant 0 : i32
      %add3A_50 = arith.addi %mul3A_48, %add3A_49 : i32
      %mul3A_51 = arith.constant 16 : i32
      %mul3A_52 = arith.muli %add3A_50, %mul3A_51 : i32
      %get3A = arith.index_cast %mul3A_52 : i32 to index
      %get3A_53 = tpu.vector_load %arg15[%get3A] {strides = array<i32>} : memref<1280xf32, #tpu.memory_space<vmem>>, vector<16xf32>,
      %get3A_54 = vector.shape_cast %get3A_53 : vector<16xf32> to vector<16xf32>
      %select_n3A = arith.select %eq3A_46, %get3A_54, %broadcast_in_dim3A_44 : vector<16xi1>, vector<16xf32>
      %eq3A_55 = arith.constant 1 : i32
      %eq3A_56 = vector.broadcast %eq3A_55 : i32 to vector<16xi32>
      %eq3A_57 = arith.cmpi eq, %iota3A, %eq3A_56 : vector<16xi32>
      %mul3A_58 = arith.constant 16 : i32
      %mul3A_59 = arith.muli %scan3A_42, %mul3A_58 : i32
      %add3A_60 = arith.constant 1 : i32
      %add3A_61 = arith.addi %mul3A_59, %add3A_60 : i32
      %mul3A_62 = arith.constant 16 : i32
      %mul3A_63 = arith.muli %add3A_61, %mul3A_62 : i32
      %get3A_64 = arith.index_cast %mul3A_63 : i32 to index
      %get3A_65 = tpu.vector_load %arg15[%get3A_64] {strides = array<i32>} : memref<1280xf32, #tpu.memory_space<vmem>>, vector<16xf32>,
      %get3A_66 = vector.shape_cast %get3A_65 : vector<16xf32> to vector<16xf32>
      %select_n3A_67 = arith.select %eq3A_57, %get3A_66, %select_n3A : vector<16xi1>, vector<16xf32>
      %eq3A_68 = arith.constant 2 : i32
      %eq3A_69 = vector.broadcast %eq3A_68 : i32 to vector<16xi32>
      %eq3A_70 = arith.cmpi eq, %iota3A, %eq3A_69 : vector<16xi32>
      %mul3A_71 = arith.constant 16 : i32
      %mul3A_72 = arith.muli %scan3A_42, %mul3A_71 : i32
      %add3A_73 = arith.constant 2 : i32
      %add3A_74 = arith.addi %mul3A_72, %add3A_73 : i32
      %mul3A_75 = arith.constant 16 : i32
      %mul3A_76 = arith.muli %add3A_74, %mul3A_75 : i32
      %get3A_77 = arith.index_cast %mul3A_76 : i32 to index
      %get3A_78 = tpu.vector_load %arg15[%get3A_77] {strides = array<i32>} : memref<1280xf32, #tpu.memory_space<vmem>>, vector<16xf32>,
      %get3A_79 = vector.shape_cast %get3A_78 : vector<16xf32> to vector<16xf32>
      %select_n3A_80 = arith.select %eq3A_70, %get3A_79, %select_n3A_67 : vector<16xi1>, vector<16xf32>
      %eq3A_81 = arith.constant 3 : i32
      %eq3A_82 = vector.broadcast %eq3A_81 : i32 to vector<16xi32>
      %eq3A_83 = arith.cmpi eq, %iota3A, %eq3A_82 : vector<16xi32>
      %mul3A_84 = arith.constant 16 : i32
      %mul3A_85 = arith.muli %scan3A_42, %mul3A_84 : i32
      %add3A_86 = arith.constant 3 : i32
      %add3A_87 = arith.addi %mul3A_85, %add3A_86 : i32
      %mul3A_88 = arith.constant 16 : i32
      %mul3A_89 = arith.muli %add3A_87, %mul3A_88 : i32
      %get3A_90 = arith.index_cast %mul3A_89 : i32 to index
      %get3A_91 = tpu.vector_load %arg15[%get3A_90] {strides = array<i32>} : memref<1280xf32, #tpu.memory_space<vmem>>, vector<16xf32>,
      %get3A_92 = vector.shape_cast %get3A_91 : vector<16xf32> to vector<16xf32>
      %select_n3A_93 = arith.select %eq3A_83, %get3A_92, %select_n3A_80 : vector<16xi1>, vector<16xf32>
      %eq3A_94 = arith.constant 4 : i32
      %eq3A_95 = vector.broadcast %eq3A_94 : i32 to vector<16xi32>
      %eq3A_96 = arith.cmpi eq, %iota3A, %eq3A_95 : vector<16xi32>
      %mul3A_97 = arith.constant 16 : i32
      %mul3A_98 = arith.muli %scan3A_42, %mul3A_97 : i32
      %add3A_99 = arith.constant 4 : i32
      %add3A_100 = arith.addi %mul3A_98, %add3A_99 : i32
      %mul3A_101 = arith.constant 16 : i32
      %mul3A_102 = arith.muli %add3A_100, %mul3A_101 : i32
      %get3A_103 = arith.index_cast %mul3A_102 : i32 to index
      %get3A_104 = tpu.vector_load %arg15[%get3A_103] {strides = array<i32>} : memref<1280xf32, #tpu.memory_space<vmem>>, vector<16xf32>,
      %get3A_105 = vector.shape_cast %get3A_104 : vector<16xf32> to vector<16xf32>
      %select_n3A_106 = arith.select %eq3A_96, %get3A_105, %select_n3A_93 : vector<16xi1>, vector<16xf32>
      %eq3A_107 = arith.constant 5 : i32
      %eq3A_108 = vector.broadcast %eq3A_107 : i32 to vector<16xi32>
      %eq3A_109 = arith.cmpi eq, %iota3A, %eq3A_108 : vector<16xi32>
      %mul3A_110 = arith.constant 16 : i32
      %mul3A_111 = arith.muli %scan3A_42, %mul3A_110 : i32
      %add3A_112 = arith.constant 5 : i32
      %add3A_113 = arith.addi %mul3A_111, %add3A_112 : i32
      %mul3A_114 = arith.constant 16 : i32
      %mul3A_115 = arith.muli %add3A_113, %mul3A_114 : i32
      %get3A_116 = arith.index_cast %mul3A_115 : i32 to index
      %get3A_117 = tpu.vector_load %arg15[%get3A_116] {strides = array<i32>} : memref<1280xf32, #tpu.memory_space<vmem>>, vector<16xf32>,
      %get3A_118 = vector.shape_cast %get3A_117 : vector<16xf32> to vector<16xf32>
      %select_n3A_119 = arith.select %eq3A_109, %get3A_118, %select_n3A_106 : vector<16xi1>, vector<16xf32>
      %eq3A_120 = arith.constant 6 : i32
      %eq3A_121 = vector.broadcast %eq3A_120 : i32 to vector<16xi32>
      %eq3A_122 = arith.cmpi eq, %iota3A, %eq3A_121 : vector<16xi32>
      %mul3A_123 = arith.constant 16 : i32
      %mul3A_124 = arith.muli %scan3A_42, %mul3A_123 : i32
      %add3A_125 = arith.constant 6 : i32
      %add3A_126 = arith.addi %mul3A_124, %add3A_125 : i32
      %mul3A_127 = arith.constant 16 : i32
      %mul3A_128 = arith.muli %add3A_126, %mul3A_127 : i32
      %get3A_129 = arith.index_cast %mul3A_128 : i32 to index
      %get3A_130 = tpu.vector_load %arg15[%get3A_129] {strides = array<i32>} : memref<1280xf32, #tpu.memory_space<vmem>>, vector<16xf32>,
      %get3A_131 = vector.shape_cast %get3A_130 : vector<16xf32> to vector<16xf32>
      %select_n3A_132 = arith.select %eq3A_122, %get3A_131, %select_n3A_119 : vector<16xi1>, vector<16xf32>
      %eq3A_133 = arith.constant 7 : i32
      %eq3A_134 = vector.broadcast %eq3A_133 : i32 to vector<16xi32>
      %eq3A_135 = arith.cmpi eq, %iota3A, %eq3A_134 : vector<16xi32>
      %mul3A_136 = arith.constant 16 : i32
      %mul3A_137 = arith.muli %scan3A_42, %mul3A_136 : i32
      %add3A_138 = arith.constant 7 : i32
      %add3A_139 = arith.addi %mul3A_137, %add3A_138 : i32
      %mul3A_140 = arith.constant 16 : i32
      %mul3A_141 = arith.muli %add3A_139, %mul3A_140 : i32
      %get3A_142 = arith.index_cast %mul3A_141 : i32 to index
      %get3A_143 = tpu.vector_load %arg15[%get3A_142] {strides = array<i32>} : memref<1280xf32, #tpu.memory_space<vmem>>, vector<16xf32>,
      %get3A_144 = vector.shape_cast %get3A_143 : vector<16xf32> to vector<16xf32>
      %select_n3A_145 = arith.select %eq3A_135, %get3A_144, %select_n3A_132 : vector<16xi1>, vector<16xf32>
      %eq3A_146 = arith.constant 8 : i32
      %eq3A_147 = vector.broadcast %eq3A_146 : i32 to vector<16xi32>
      %eq3A_148 = arith.cmpi eq, %iota3A, %eq3A_147 : vector<16xi32>
      %mul3A_149 = arith.constant 16 : i32
      %mul3A_150 = arith.muli %scan3A_42, %mul3A_149 : i32
      %add3A_151 = arith.constant 8 : i32
      %add3A_152 = arith.addi %mul3A_150, %add3A_151 : i32
      %mul3A_153 = arith.constant 16 : i32
      %mul3A_154 = arith.muli %add3A_152, %mul3A_153 : i32
      %get3A_155 = arith.index_cast %mul3A_154 : i32 to index
      %get3A_156 = tpu.vector_load %arg15[%get3A_155] {strides = array<i32>} : memref<1280xf32, #tpu.memory_space<vmem>>, vector<16xf32>,
      %get3A_157 = vector.shape_cast %get3A_156 : vector<16xf32> to vector<16xf32>
      %select_n3A_158 = arith.select %eq3A_148, %get3A_157, %select_n3A_145 : vector<16xi1>, vector<16xf32>
      %eq3A_159 = arith.constant 9 : i32
      %eq3A_160 = vector.broadcast %eq3A_159 : i32 to vector<16xi32>
      %eq3A_161 = arith.cmpi eq, %iota3A, %eq3A_160 : vector<16xi32>
      %mul3A_162 = arith.constant 16 : i32
      %mul3A_163 = arith.muli %scan3A_42, %mul3A_162 : i32
      %add3A_164 = arith.constant 9 : i32
      %add3A_165 = arith.addi %mul3A_163, %add3A_164 : i32
      %mul3A_166 = arith.constant 16 : i32
      %mul3A_167 = arith.muli %add3A_165, %mul3A_166 : i32
      %get3A_168 = arith.index_cast %mul3A_167 : i32 to index
      %get3A_169 = tpu.vector_load %arg15[%get3A_168] {strides = array<i32>} : memref<1280xf32, #tpu.memory_space<vmem>>, vector<16xf32>,
      %get3A_170 = vector.shape_cast %get3A_169 : vector<16xf32> to vector<16xf32>
      %select_n3A_171 = arith.select %eq3A_161, %get3A_170, %select_n3A_158 : vector<16xi1>, vector<16xf32>
      %eq3A_172 = arith.constant 10 : i32
      %eq3A_173 = vector.broadcast %eq3A_172 : i32 to vector<16xi32>
      %eq3A_174 = arith.cmpi eq, %iota3A, %eq3A_173 : vector<16xi32>
      %mul3A_175 = arith.constant 16 : i32
      %mul3A_176 = arith.muli %scan3A_42, %mul3A_175 : i32
      %add3A_177 = arith.constant 10 : i32
      %add3A_178 = arith.addi %mul3A_176, %add3A_177 : i32
      %mul3A_179 = arith.constant 16 : i32
      %mul3A_180 = arith.muli %add3A_178, %mul3A_179 : i32
      %get3A_181 = arith.index_cast %mul3A_180 : i32 to index
      %get3A_182 = tpu.vector_load %arg15[%get3A_181] {strides = array<i32>} : memref<1280xf32, #tpu.memory_space<vmem>>, vector<16xf32>,
      %get3A_183 = vector.shape_cast %get3A_182 : vector<16xf32> to vector<16xf32>
      %select_n3A_184 = arith.select %eq3A_174, %get3A_183, %select_n3A_171 : vector<16xi1>, vector<16xf32>
      %eq3A_185 = arith.constant 11 : i32
      %eq3A_186 = vector.broadcast %eq3A_185 : i32 to vector<16xi32>
      %eq3A_187 = arith.cmpi eq, %iota3A, %eq3A_186 : vector<16xi32>
      %mul3A_188 = arith.constant 16 : i32
      %mul3A_189 = arith.muli %scan3A_42, %mul3A_188 : i32
      %add3A_190 = arith.constant 11 : i32
      %add3A_191 = arith.addi %mul3A_189, %add3A_190 : i32
      %mul3A_192 = arith.constant 16 : i32
      %mul3A_193 = arith.muli %add3A_191, %mul3A_192 : i32
      %get3A_194 = arith.index_cast %mul3A_193 : i32 to index
      %get3A_195 = tpu.vector_load %arg15[%get3A_194] {strides = array<i32>} : memref<1280xf32, #tpu.memory_space<vmem>>, vector<16xf32>,
      %get3A_196 = vector.shape_cast %get3A_195 : vector<16xf32> to vector<16xf32>
      %select_n3A_197 = arith.select %eq3A_187, %get3A_196, %select_n3A_184 : vector<16xi1>, vector<16xf32>
      %eq3A_198 = arith.constant 12 : i32
      %eq3A_199 = vector.broadcast %eq3A_198 : i32 to vector<16xi32>
      %eq3A_200 = arith.cmpi eq, %iota3A, %eq3A_199 : vector<16xi32>
      %mul3A_201 = arith.constant 16 : i32
      %mul3A_202 = arith.muli %scan3A_42, %mul3A_201 : i32
      %add3A_203 = arith.constant 12 : i32
      %add3A_204 = arith.addi %mul3A_202, %add3A_203 : i32
      %mul3A_205 = arith.constant 16 : i32
      %mul3A_206 = arith.muli %add3A_204, %mul3A_205 : i32
      %get3A_207 = arith.index_cast %mul3A_206 : i32 to index
      %get3A_208 = tpu.vector_load %arg15[%get3A_207] {strides = array<i32>} : memref<1280xf32, #tpu.memory_space<vmem>>, vector<16xf32>,
      %get3A_209 = vector.shape_cast %get3A_208 : vector<16xf32> to vector<16xf32>
      %select_n3A_210 = arith.select %eq3A_200, %get3A_209, %select_n3A_197 : vector<16xi1>, vector<16xf32>
      %eq3A_211 = arith.constant 13 : i32
      %eq3A_212 = vector.broadcast %eq3A_211 : i32 to vector<16xi32>
      %eq3A_213 = arith.cmpi eq, %iota3A, %eq3A_212 : vector<16xi32>
      %mul3A_214 = arith.constant 16 : i32
      %mul3A_215 = arith.muli %scan3A_42, %mul3A_214 : i32
      %add3A_216 = arith.constant 13 : i32
      %add3A_217 = arith.addi %mul3A_215, %add3A_216 : i32
      %mul3A_218 = arith.constant 16 : i32
      %mul3A_219 = arith.muli %add3A_217, %mul3A_218 : i32
      %get3A_220 = arith.index_cast %mul3A_219 : i32 to index
      %get3A_221 = tpu.vector_load %arg15[%get3A_220] {strides = array<i32>} : memref<1280xf32, #tpu.memory_space<vmem>>, vector<16xf32>,
      %get3A_222 = vector.shape_cast %get3A_221 : vector<16xf32> to vector<16xf32>
      %select_n3A_223 = arith.select %eq3A_213, %get3A_222, %select_n3A_210 : vector<16xi1>, vector<16xf32>
      %eq3A_224 = arith.constant 14 : i32
      %eq3A_225 = vector.broadcast %eq3A_224 : i32 to vector<16xi32>
      %eq3A_226 = arith.cmpi eq, %iota3A, %eq3A_225 : vector<16xi32>
      %mul3A_227 = arith.constant 16 : i32
      %mul3A_228 = arith.muli %scan3A_42, %mul3A_227 : i32
      %add3A_229 = arith.constant 14 : i32
      %add3A_230 = arith.addi %mul3A_228, %add3A_229 : i32
      %mul3A_231 = arith.constant 16 : i32
      %mul3A_232 = arith.muli %add3A_230, %mul3A_231 : i32
      %get3A_233 = arith.index_cast %mul3A_232 : i32 to index
      %get3A_234 = tpu.vector_load %arg15[%get3A_233] {strides = array<i32>} : memref<1280xf32, #tpu.memory_space<vmem>>, vector<16xf32>,
      %get3A_235 = vector.shape_cast %get3A_234 : vector<16xf32> to vector<16xf32>
      %select_n3A_236 = arith.select %eq3A_226, %get3A_235, %select_n3A_223 : vector<16xi1>, vector<16xf32>
      %eq3A_237 = arith.constant 15 : i32
      %eq3A_238 = vector.broadcast %eq3A_237 : i32 to vector<16xi32>
      %eq3A_239 = arith.cmpi eq, %iota3A, %eq3A_238 : vector<16xi32>
      %mul3A_240 = arith.constant 16 : i32
      %mul3A_241 = arith.muli %scan3A_42, %mul3A_240 : i32
      %add3A_242 = arith.constant 15 : i32
      %add3A_243 = arith.addi %mul3A_241, %add3A_242 : i32
      %mul3A_244 = arith.constant 16 : i32
      %mul3A_245 = arith.muli %add3A_243, %mul3A_244 : i32
      %get3A_246 = arith.index_cast %mul3A_245 : i32 to index
      %get3A_247 = tpu.vector_load %arg15[%get3A_246] {strides = array<i32>} : memref<1280xf32, #tpu.memory_space<vmem>>, vector<16xf32>,
      %get3A_248 = vector.shape_cast %get3A_247 : vector<16xf32> to vector<16xf32>
      %select_n3A_249 = arith.select %eq3A_239, %get3A_248, %select_n3A_236 : vector<16xi1>, vector<16xf32>
      %mul3A_250 = arith.constant 16 : i32
      %mul3A_251 = arith.muli %scan3A_42, %mul3A_250 : i32
      %add3A_252 = arith.constant 9920 : i32
      %add3A_253 = arith.addi %add3A_252, %mul3A_251 : i32
      %swap3A = arith.index_cast %add3A_253 : i32 to index
      %swap3A_254 = tpu.vector_load %arg16[%swap3A] {strides = array<i32>} : memref<10000xf32, #tpu.memory_space<vmem>>, vector<16xf32>,
      %swap3A_255 = vector.shape_cast %swap3A_254 : vector<16xf32> to vector<16xf32>
      %swap3A_256 = vector.shape_cast %select_n3A_249 : vector<16xf32> to vector<16xf32>
      tpu.vector_store %arg16[%swap3A], %swap3A_256 {strides = array<i32>} : memref<10000xf32, #tpu.memory_space<vmem>>, vector<16xf32>,
      %scan3A_257 = arith.constant 0 : i32
      scf.yield %scan3A_257 : i32
    }
    %scan3A_41 = arith.constant 5 : i32
    "tpu.region"() ({
      %run_scoped3A = tpu.sem_alloc : memref<!tpu.dma_semaphore, #tpu.memory_space<semaphore_mem>>
      %dma_start3A_42 = tpu.memref_slice %arg6[%mul3A_2] : memref<320000xf32, #tpu.memory_space<hbm>> -> memref<10000xf32, #tpu.memory_space<hbm>>
      %dma_start3A_43 = tpu.memref_slice %arg6[%mul3A_2] : memref<320000xf32, #tpu.memory_space<hbm>> -> memref<10000xf32, #tpu.memory_space<hbm>>
      tpu.enqueue_dma source(%arg16 : memref<10000xf32, #tpu.memory_space<vmem>>) target(%dma_start3A_43 : memref<10000xf32, #tpu.memory_space<hbm>>) target_semaphore(%run_scoped3A : memref<!tpu.dma_semaphore, #tpu.memory_space<semaphore_mem>>)
      %dma_wait3A_44 = tpu.memref_slice %arg6[%mul3A_2] : memref<320000xf32, #tpu.memory_space<hbm>> -> memref<10000xf32, #tpu.memory_space<hbm>>
      %dma_wait3A_45 = tpu.memref_slice %arg6[%mul3A_2] : memref<320000xf32, #tpu.memory_space<hbm>> -> memref<10000xf32, #tpu.memory_space<hbm>>
      tpu.wait_dma2 semaphore(%run_scoped3A : memref<!tpu.dma_semaphore, #tpu.memory_space<semaphore_mem>>) src(%arg16 : memref<10000xf32, #tpu.memory_space<vmem>>) dst(%dma_wait3A_45 : memref<10000xf32, #tpu.memory_space<hbm>>)
      tpu.yield
    }) : () -> ()
    return
  }
}

</mosaic_0001>

<sc_bundles>
// kernel: _edge_decoder.3.cloned.1.call-start
scs
__scs_entry_jumppad:
0x0: {  	(pc) =	sbr.rel $0x88, $3  }
0x1: {  	(tag) =	ssettag $0x0;
	lr =	simm.s32 $0x1  }
0x2: {  	[smem:$0x3F9D] =	sst lr;
	_ =	strace $0xD0000000  }
0x3: {  	_ = 	snop  }
0x4: {  	_ = 	snop  }
0x5: {  	_ = 	snop  }
0x6: {  	_ = 	snop  }
0x7: {  	_ = 	snop  }
__scs_overlays_trampoline_lowered:
0x8: {  	[smem:$0x3FAC] =	sst s0  }
0x9: {  	[smem:$0x3FAD] =	sst s1  }
0xa: {  	[smem:$0x3FAE] =	sst s2  }
0xb: {  	[smem:$0x3FAF] =	sst s3  }
0xc: {  	[smem:$0x3FB0] =	sst s4  }
0xd: {  	[smem:$0x3FB1] =	sst s5  }
0xe: {  	[smem:$0x3FB2] =	sst s6  }
0xf: {  	[smem:$0x3FB3] =	sst s7  }
0x10: {  	[smem:$0x3FB4] =	sst s8  }
0x11: {  	[smem:$0x3FB5] =	sst s9;
	s0 =	simm.s32 @!p0 $0x0  }
0x12: {  	s1 =	sld [smem:$0x3F9B];
	s0 =	simm.s32 @p0 $0x1  }
0x13: {  	[smem:$0x3FB6] =	sst s0;
	s0 =	simm.s32 @!p1 $0x0  }
0x14: {  	s2 =	sld [smem:$0x3F9A];
	s0 =	simm.s32 @p1 $0x1  }
0x15: {  	[smem:$0x3FB7] =	sst s0;
	s0 =	simm.s32 @!p2 $0x0  }
0x16: {  	s3 =	sld [smem:$0x3FDB];
	s0 =	simm.s32 @p2 $0x1  }
0x17: {  	s4 =	simm.s32 $0x1BF5;
	[smem:$0x3FB9] =	sst s0  }
0x18: {  	s0 =	sld [smem:$0x3F9C];
	_ =	swait.ge [sflag:s4], $0x0  }
0x19: {  	s7 =	sld [smem:$0x3F9D]  }
0x1a: {  	s8 =	sadd.s32 $0xFFFFE003, lr  }
0x1b: {  	s9 =	sadd.s32 $0xFFFFFEF7, lr;
	s5 =	simm.s32 $0xFFFFFFFF;
	p2 =	slt.u32 s8, $0xFFFFF086  }
0x1c: {  	p1 =	slt.u32 s9, $0xF7A;
	s5 =	simm.s32 @!p2 $0x0  }
0x1d: {  	s5 =	simm.s32 @p1 $0x1;
	p0 =	seq.s32 s7, s2  }
0x1e: {  	s7 =	smul.u32 @!p0 $0xF7A, s2;
	p2 =	seq.s32 @!p0 s5, $0x0  }
0x1f: {  	s9 =	smul.u32 $0xF7A, s1;
	s8 =	simm.s32 @!p0 $0x1BF5;
	p2 =	por !p2, p0  }
0x20: {  	[sflag:s8] =	ssyncset.s32 @!p0 $0xFFFFF086;
	s6 =	sadd.s32 @!p0 s3, s7;
	s7 =	simm.s32 @!p0 $0x108  }
0x21: {  	s3 =	sadd.s32 s3, s9;
	s6 =	sadd.s32 @!p0 $0x88, s6;
	s7 =	simm.s32 @p2 $0x1082  }
0x22: {  	[simem:s7], [sflag:s8] =	dma.local @!p0 [hbm:s6], $0xF7A  }
0x23: {  	s9 =	sor.u32 $0xD0000000, s2;
	s6 =	simm.s32 $0x108;
	_ =	swait.ge @!p0 [sflag:s8], $0x0  }
0x24: {  	s3 =	sadd.s32 $0x88, s3;
	s6 =	simm.s32 @!p1 $0x1082;
	[sflag:s4] =	ssyncset.s32 $0xFFFFF086  }
0x25: {  	[simem:s6], [sflag:s4] =	dma.local [hbm:s3], $0xF7A  }
0x26: {  	[smem:$0x3F9D] =	sst s1;
	(tag) =	ssettag s2;
	_ =	strace s9  }
0x27: {  	s1 =	sld [smem:$0x3FAD]  }
0x28: {  	s2 =	sld [smem:$0x3FAE]  }
0x29: {  	s4 =	sld [smem:$0x3FB0]  }
0x2a: {  	p0 =	seq.s32 s5, $0x0;
	s5 =	sld [smem:$0x3FB1]  }
0x2b: {  	s6 =	sld [smem:$0x3FB2]  }
0x2c: {  	s7 =	sld [smem:$0x3FB3]  }
0x2d: {  	s3 =	simm.s32 $0x108;
	s8 =	sld [smem:$0x3FB4]  }
0x2e: {  	s3 =	simm.s32 @!p0 $0x1082;
	s9 =	sld [smem:$0x3FB5]  }
0x2f: {  	lr =	sadd.s32 s0, s3;
	s0 =	sld [smem:$0x3FAC]  }
0x30: {  	s3 =	sld [smem:$0x3FAF]  }
0x31: {  	[smem:$0x3FB8] =	sst s10  }
0x32: {  	s10 =	sld [smem:$0x3FB6];
	_ =	sdelay $0x3  }
0x33: {  	p0 =	seq.s32 s10, $0x1;
	s10 =	sld [smem:$0x3FB8];
	_ =	sdelay $0x3  }
0x34: {  	[smem:$0x3FB8] =	sst s10  }
0x35: {  	s10 =	sld [smem:$0x3FB7];
	_ =	sdelay $0x3  }
0x36: {  	p1 =	seq.s32 s10, $0x1;
	s10 =	sld [smem:$0x3FB8];
	_ =	sdelay $0x3  }
0x37: {  	[smem:$0x3FB8] =	sst s10  }
0x38: {  	s10 =	sld [smem:$0x3FB9]  }
0x39: {  	_ = 	snop;
	(pc) =	sbr.ind lr, $3  }
0x3a: {  	_ = 	snop  }
0x3b: {  	_ = 	snop  }
0x3c: {  	p2 =	seq.s32 s10, $0x1;
	s10 =	sld [smem:$0x3FB8]  }
0x3d: {  	_ =	shalt  }
0x3e: {  	_ =	shalt  }
0x3f: {  	_ =	shalt  }
0x40: {  	_ =	shalt  }
0x41: {  	_ =	shalt  }
0x42: {  	_ =	shalt  }
0x43: {  	_ =	shalt  }
0x44: {  	_ =	shalt  }
0x45: {  	_ =	shalt  }
0x46: {  	_ =	shalt  }
0x47: {  	_ =	shalt  }
0x48: {  	_ =	shalt  }
0x49: {  	_ =	shalt  }
0x4a: {  	_ =	shalt  }
0x4b: {  	_ =	shalt  }
0x4c: {  	_ =	shalt  }
0x4d: {  	_ =	shalt  }
0x4e: {  	_ =	shalt  }
0x4f: {  	_ =	shalt  }
0x50: {  	_ =	shalt  }
0x51: {  	_ =	shalt  }
0x52: {  	_ =	shalt  }
0x53: {  	_ =	shalt  }
0x54: {  	_ =	shalt  }
0x55: {  	_ =	shalt  }
0x56: {  	_ =	shalt  }
0x57: {  	_ =	shalt  }
0x58: {  	_ =	shalt  }
0x59: {  	_ =	shalt  }
0x5a: {  	_ =	shalt  }
0x5b: {  	_ =	shalt  }
0x5c: {  	_ =	shalt  }
0x5d: {  	_ =	shalt  }
0x5e: {  	_ =	shalt  }
0x5f: {  	_ =	shalt  }
0x60: {  	_ =	shalt  }
0x61: {  	_ =	shalt  }
0x62: {  	_ =	shalt  }
0x63: {  	_ =	shalt  }
0x64: {  	_ =	shalt  }
0x65: {  	_ =	shalt  }
0x66: {  	_ =	shalt  }
0x67: {  	_ =	shalt  }
0x68: {  	_ =	shalt  }
0x69: {  	_ =	shalt  }
0x6a: {  	_ =	shalt  }
0x6b: {  	_ =	shalt  }
0x6c: {  	_ =	shalt  }
0x6d: {  	_ =	shalt  }
0x6e: {  	_ =	shalt  }
0x6f: {  	_ =	shalt  }
0x70: {  	_ =	shalt  }
0x71: {  	_ =	shalt  }
0x72: {  	_ =	shalt  }
0x73: {  	_ =	shalt  }
0x74: {  	_ =	shalt  }
0x75: {  	_ =	shalt  }
0x76: {  	_ =	shalt  }
0x77: {  	_ =	shalt  }
0x78: {  	_ =	shalt  }
0x79: {  	_ =	shalt  }
0x7a: {  	_ =	shalt  }
0x7b: {  	_ =	shalt  }
0x7c: {  	_ =	shalt  }
0x7d: {  	_ =	shalt  }
0x7e: {  	_ =	shalt  }
0x7f: {  	_ =	shalt  }
0x80: {  	_ =	shalt  }
0x81: {  	_ =	shalt  }
0x82: {  	_ =	shalt  }
0x83: {  	_ =	shalt  }
0x84: {  	_ =	shalt  }
0x85: {  	_ =	shalt  }
0x86: {  	_ =	shalt  }
0x87: {  	_ =	shalt  }
.Lfunc_end0:
.L_simem_size_0:
called_computation_lowered:
.L_overlay_start_0:
0x88: {  	s2 =	sld [smem:$0x3FD9]  }
0x89: {  	s3 =	sld [smem:$0x3FFE];
	_ =	sdelay $0x1  }
0x8a: {  	s1 =	srdreg.scid  }
0x8b: {  	s0 =	sand.u32 $0x1, s1  }
0x8c: {  	s17 =	sshll.u32 s0, $0xA;
	s2 =	sadd.s32 s3, s2  }
0x8d: {  	s2 =	sadd.s32 s2, s17  }
0x8e: {  	[smem:$0x3FC4] =	sst s2  }
0x8f: {  	_ = 	snop  }
0x90: {  	s2 =	sld [smem:$0x3FC7]  }
0x91: {  	s18 =	sld [smem:$0x3FC6]  }
0x92: {  	s4 =	sld [smem:$0x3FD0];
	(tm) =	ssettm $0x1  }
0x93: {  	s5 =	sld [smem:$0x3FFB];
	_ =	sdelay $0x3  }
0x94: {  	_ =	strace s5  }
0x95: {  	s5 =	sld [smem:$0x3FFC];
	_ =	sdelay $0x3  }
0x96: {  	_ =	strace s5  }
0x97: {  	s5 =	sld [smem:$0x3FFD];
	_ =	sdelay $0x3  }
0x98: {  	_ =	strace s5  }
0x99: {  	_ =	strace $0x8FFFFFFF  }
0x9a: {  	s19 =	sld [smem:$0x3FDB];
	_ =	sdelay $0x1  }
0x9b: {  	s6 =	simm.s32 $_scs_section_size  }
0x9c: {  	s7 =	simm.s32 $_size__tile_overlayer_lowered;
	s8 =	simm.s32 $_tile_overlayer_lowered  }
0x9d: {  	s22 =	simm.s32 $0x1BFF;
	s21 =	sshll.u32 s8, $0x1;
	s5 =	sadd.s32 s6, s19  }
0x9e: {  	s9 =	simm.s32 $0x0;
	s20 =	sshll.u32 s7, $0x1;
	s7 =	sadd.s32 s21, s5  }
0x9f: {  	[timem:s9], [sflag:s22] =	dma.local [hbm:s7], s20  }
0xa0: {  	_ =	swait.ge [sflag:s22], s20  }
0xa1: {  	s6 =	ssub.s32 $0x0, s20;
	[sflag:s22] =	ssyncset.done $0x0  }
0xa2: {  	[sflag:s22] =	ssyncadd.s32 s6;
	_ =	sdelay $0x1  }
0xa3: {  	s23 =	simm.s32 $0x1B8B  }
0xa4: {  	_ =	swait.ge [sflag:s23], $0x1  }
0xa5: {  	[sflag:s23] =	ssyncset.done $0x0  }
0xa6: {  	s25 =	simm.s32 $0x1B8E;
	s24 =	sld [smem:$0x3FFE];
	[sflag:s23] =	ssyncadd.s32 $0xFFFFFFFF  }
0xa7: {  	s26 =	simm.s32 $execute0_lowered;
	[smem:$0x3FD2] =	sst s25  }
0xa8: {  	s7 =	sshll.u32 s26, $0x1;
	_ =	strace $0x80000046;
	[dreg:$0x1] =	wrdreg $0xFFFFFFFF  }
0xa9: {  	s28 =	simm.s32 $_size_execute0_lowered;
	s5 =	sadd.s32 s5, s7;
	[dreg:$0x0] =	wrdreg $0x0  }
0xaa: {  	s7 =	sshll.u32 s28, $0x1;
	[dreg:$0x2] =	wrdreg s5  }
0xab: {  	[dreg:$0x3] =	wrdreg s7  }
0xac: {  	[dreg:$0x4] =	wrdreg $0xC0  }
0xad: {  	_ =	task [dreg:s9], $0x5FFFF  }
0xae: {  	[dreg:$0x1] =	wrdreg $0xFFFFFFFF  }
0xaf: {  	[dreg:$0x0] =	wrdreg $0x60  }
0xb0: {  	[dreg:$0x2] =	wrdreg s24  }
0xb1: {  	[dreg:$0x3] =	wrdreg s2  }
0xb2: {  	[dreg:$0x4] =	wrdreg s18  }
0xb3: {  	[dreg:$0x5] =	wrdreg s4  }
0xb4: {  	[dreg:$0x6] =	wrdreg $0x7D500  }
0xb5: {  	[dreg:$0x7] =	wrdreg $0x119900  }
0xb6: {  	[dreg:$0x8] =	wrdreg $0x9  }
0xb7: {  	_ =	task.clear_ibuf [dreg:s9], $0x9FFFF;
	_ =	strace $0x90000046  }
0xb8: {  	s29 =	simm.s32 $0x9;
	_ =	strace $0x80000048  }
0xb9: {  	_ =	swait.ge [sflag:s29], $0x1  }
0xba: {  	[sflag:s29] =	ssyncadd.s32 $0xFFFFFFFF  }
0xbb: {  	_ =	strace $0x90000048  }
0xbc: {  	_ =	sfence  }
0xbd: {  	s30 =	sld [smem:$0x0];
	_ =	sdelay $0x2  }
0xbe: {  	s31 =	sshll.u32 s1, $0xD;
	s1 =	sshrl.u32 s1, $0x2  }
0xbf: {  	s3 =	sand.u32 $0x4000, s31;
	s1 =	sadd.s32 s1, s30  }
0xc0: {  	s0 =	sor.u32 s3, s0;
	s1 =	sshll.u32 s1, $0x11  }
0xc1: {  	s0 =	sor.u32 s1, s0  }
0xc2: {  	s0 =	sadd.s32 $0x8F2B, s0  }
0xc3: {  	[sflag:s0] =	ssyncadd.remote.s32 $0x1  }
0xc4: {  	_ =	sfence.sel $0xFFFF  }
0xc5: {  	[dreg:$0x0] =	wrdreg $0xFFFFFFFF;
	(pc) =	sbr.abs _section_cstart, $3  }
0xc6: {  	[dreg:$0x1] =	wrdreg $0xFFFFFFFF  }
0xc7: {  	_ =	task.clear_ibuf [dreg:s9], $0x2FFFF;
	_ =	strace $0x9FFFFFFF  }
0xc8: {  	(tm) =	ssettm $0x7FFFFFFF  }
0xc9: {  	_ =	shalt  }
tec
execute0_lowered:
.L_overlay_start_1:
0x0: {  	(tag) =	ssettag $0x1  }
0x1: {  	s0 =	rddreg [dreg:$0x0]  }
0x2: {  	s1 =	rddreg [dreg:$0x1]  }
0x3: {  	s2 =	rddreg [dreg:$0x2]  }
0x4: {  	s5 =	rddreg [dreg:$0x3]  }
0x5: {  	s3 =	rddreg [dreg:$0x4]  }
0x6: {  	s4 =	rddreg [dreg:$0x5];
	s6 =	simm.s32 $0x0;
	s12 =	stileid.u32  }
0x7: {  	s8 =	srdreg.scid;
	s28 =	simm.s32 $0x2940;
	s29 =	simm.s32 $0x3D40  }
0x8: {  	s30 =	simm.s32 $0x3;
	s31 =	simm.s32 $0x4;
	[smem:$0x7FF] =	sst s6  }
0x9: {  	v0 =	vimm.s32 $0xFEDCBA98;
	s7 =	smul.u32 $0x9C40, s12;
	s8 =	sand.u32 $0x1, s8;
	s11 =	sshll.u32 s12, $0x1  }
0xa: {  	v1 =	vimm.s32 $0x76543210;
	v2 =	vimm.s32 $0xBA98FEDC;
	s16 =	sshll.u32 s12, $0x6;
	_ =	strace $0x80000047;
	s10 =	ssub.s32 $0x2, s8  }
0xb: {  	v3 =	vimm.s32 $0x32107654;
	v4 =	vimm.s32 $0xDCFE98BA;
	v5 =	vimm.s32 $0x54761032;
	s8 =	sor.u32 s8, s11;
	s11 =	simm.s32 $0x7;
	s9 =	sshrl.u32 s7, $0x3  }
0xc: {  	v6 =	vimm.s32 $0xEFCDAB89;
	v7 =	vimm.s32 $0x67452301;
	s15 =	sshrl.u32 s10, $0x1;
	s8 =	smul.u32 $0x2710, s8;
	s17 =	sadd.s32 s7, s3  }
0xd: {  	vm0 =	vmmov $0x1;
	vm1 =	vmmov $0x3;
	vm2 =	vmmov $0x7;
	s7 =	sadd.s32 s7, s4;
	s0 =	sadd.s32 s9, s0;
	s9 =	ssub.s32 s10, s15  }
0xe: {  	vm3 =	vmmov $0xf;
	vm4 =	vmmov $0x1f;
	vm5 =	vmmov $0x3f;
	s10 =	sor.u32 $0x1C07, s16;
	s25 =	sshrl.u32 s17, $0x3;
	s26 =	sshrl.u32 s7, $0x3  }
0xf: {  	vm6 =	vmmov $0x7f;
	vm7 =	vmmov $0xff;
	vm8 =	vmmov $0x1ff;
	s7 =	simm.s32 $0x6;
	s18 =	sadd.s32 $0x600, s0;
	[dreg:$0x8] =	wrdreg s10  }
0x10: {  	vm9 =	vmmov $0x3ff;
	vm10 =	vmmov $0x7ff;
	vm11 =	vmmov $0xfff;
	s0 =	sadd.s32 $0x14000, s0;
	s19 =	sshrl.u32 s8, $0x3;
	[dreg:$0x10] =	wrdreg s25  }
0x11: {  	v0 =	vunpack.c.l.s4.s8 v0;
	v1 =	vunpack.c.l.s4.s8 v1;
	v2 =	vunpack.c.l.s4.s8 v2;
	s14 =	sadd.s32 $0xA0, s8;
	s15 =	sadd.s32 $0xF0, s8;
	[dreg:$0x11] =	wrdreg s26  }
0x12: {  	v3 =	vunpack.c.l.s4.s8 v3;
	v4 =	vunpack.c.l.s4.s8 v4;
	v5 =	vunpack.c.l.s4.s8 v5;
	s24 =	smax.u32 s9, $0x1;
	s25 =	simm.s32 $0xF0;
	[dreg:$0x7] =	wrdreg s18  }
0x13: {  	v6 =	vunpack.c.l.s4.s8 v6;
	v7 =	vunpack.c.l.s4.s8 v7;
	v0 =	vunpack.c.0.s8.s32 v0;
	s26 =	simm.s32 $0x2;
	s9 =	simm.s32 $0x0;
	[dreg:$0x9] =	wrdreg s0  }
0x14: {  	v2 =	vunpack.c.0.s8.s32 v2;
	v3 =	vunpack.c.0.s8.s32 v3;
	v4 =	vunpack.c.0.s8.s32 v4;
	s20 =	sadd.s32 s1, s19;
	s21 =	sadd.s32 s2, s19;
	[dreg:$0xf] =	wrdreg s24  }
0x15: {  	v5 =	vunpack.c.0.s8.s32 v5;
	v6 =	vunpack.c.0.s8.s32 v6;
	v7 =	vunpack.c.0.s8.s32 v7;
	s22 =	sadd.s32 $0xA, s19;
	s0 =	sadd.s32 s5, s19;
	[dreg:$0xa] =	wrdreg s20  }
0x16: {  	vm12 =	vmmov $0x1fff;
	v1 =	vunpack.c.0.s8.s32 v1;
	v2 =	vcombine.low v3, v2;
	s24 =	simm.s32 $0xA0;
	s5 =	simm.s32 $0x5;
	[dreg:$0xb] =	wrdreg s21  }
0x17: {  	v3 =	vcombine.low v5, v4;
	v4 =	vcombine.low v7, v6;
	v0 =	vand.u32 $0xF, v0;
	s23 =	sadd.s32 s1, s22;
	s10 =	sadd.s32 s2, s22;
	[dreg:$0xe] =	wrdreg s0  }
0x18: {  	vm13 =	vmmov $0x3fff;
	vm14 =	vmmov $0x7fff;
	v0 =	vcombine.low v0, v1;
	s21 =	simm.s32 $0x50;
	s22 =	simm.s32 $0x140;
	[dreg:$0xc] =	wrdreg s23  }
0x19: {  	v1 =	vand.u32 $0xF, v2;
	v2 =	vand.u32 $0xF, v3;
	v3 =	vand.u32 $0xF, v4;
	s0 =	simm.s32 $0x1;
	[dreg:$0xd] =	wrdreg s10;
	s23 =	simm.s32 $0x1540  }
.LBB2_1:
0x1a: {  	[dreg:$0x12] =	wrdreg s9  }
0x1b: {  	s8 =	rddreg [dreg:$0x7]  }
0x1c: {  	s12 =	rddreg [dreg:$0x8]  }
0x1d: {  	s10 =	rddreg [dreg:$0x10]  }
0x1e: {  	[spmem:s10], [sflag:s12] =	dma.local [hbm:s8], $0x1388  }
0x1f: {  	_ =	swait.ge [sflag:s11], $0x1388  }
0x20: {  	[sflag:s11] =	ssyncset.done $0x0;
	s13 =	rddreg [dreg:$0x9]  }
0x21: {  	s16 =	rddreg [dreg:$0x11];
	[sflag:s11] =	ssyncadd.s32 $0xFFFFEC78  }
0x22: {  	[spmem:s16], [sflag:s12] =	dma.local [hbm:s13], $0x1388  }
0x23: {  	_ =	swait.ge [sflag:s11], $0x1388  }
0x24: {  	[sflag:s11] =	ssyncset.done $0x0  }
0x25: {  	[sflag:s11] =	ssyncadd.s32 $0xFFFFEC78  }
0x26: {  	[bflag:$0x0] =	sbarrier.arrive $0xFFFF  }
0x27: {  	s17 =	rddreg [dreg:$0xa]  }
0x28: {  	[tilespmem:s6], [sflag:$0x7] =	stream.linear.gather [hbm4b:s17+s6], $0x50, $0x38;
	[tilespmem:$0x1B5D0] =	vst v63  }
0x29: {  	_ =	swait.ge [sflag:s11], $0x50  }
0x2a: {  	[sflag:s11] =	ssyncset.done $0x0  }
0x2b: {  	s18 =	rddreg [dreg:$0xb];
	[sflag:s11] =	ssyncadd.s32 $0xFFFFFFB0  }
0x2c: {  	[tilespmem:s21], [sflag:$0x7] =	stream.linear.gather [hbm4b:s18+s6], $0x50, $0x38;
	[tilespmem:$0x1B5D0] =	vst v63  }
0x2d: {  	_ =	swait.ge [sflag:s11], $0x50  }
0x2e: {  	[sflag:s11] =	ssyncset.done $0x0  }
0x2f: {  	[sflag:s11] =	ssyncadd.s32 $0xFFFFFFB0  }
0x30: {  	[tilespmem:s22], [sflag:$0x3] =	stream.indirect.gather [spmem:s3], $0x40, s6, s21, $0xb8;
	[tilespmem:$0x1B5D0] =	vst v63  }
0x31: {  	_ = 	snop  }
0x32: {  	[tilespmem:s23], [sflag:$0x4] =	stream.indirect.gather [spmem:s4], $0x40, s21, s21, $0xb8;
	[tilespmem:$0x1B5D0] =	vst v63  }
0x33: {  	s10 =	simm.s32 $0x5690;
	s19 =	rddreg [dreg:$0xc]  }
0x34: {  	[tilespmem:s24], [sflag:$0x2] =	stream.linear.gather [hbm4b:s19+s6], $0x50, $0x38;
	[tilespmem:$0x1B5D0] =	vst v63  }
0x35: {  	s12 =	simm.s32 $0x0;
	s20 =	rddreg [dreg:$0xd];
	s11 =	simm.s32 $0x5640  }
0x36: {  	[tilespmem:s25], [sflag:$0x2] =	stream.linear.gather [hbm4b:s20+s6], $0x50, $0x38;
	[tilespmem:$0x1B5D0] =	vst v63  }
.LBB2_2:
0x37: {  	_ =	swait.ge [sflag:s26], $0x50  }
0x38: {  	[sflag:s26] =	ssyncset.done $0x0  }
0x39: {  	[sflag:s26] =	ssyncadd.s32 $0xFFFFFFB0  }
0x3a: {  	_ =	swait.ge [sflag:s26], $0x50  }
0x3b: {  	[sflag:s26] =	ssyncset.done $0x0  }
0x3c: {  	[sflag:s26] =	ssyncadd.s32 $0xFFFFFFB0  }
0x3d: {  	[tilespmem:s28], [sflag:$0x5] =	stream.indirect.gather [spmem:s3], $0x40, s24, s21, $0xb8;
	[tilespmem:$0x1B5D0] =	vst v63  }
0x3e: {  	_ = 	snop  }
0x3f: {  	[tilespmem:s29], [sflag:$0x6] =	stream.indirect.gather [spmem:s4], $0x40, s25, s21, $0xb8;
	[tilespmem:$0x1B5D0] =	vst v63  }
0x40: {  	_ =	swait.ge [sflag:s30], $0x1400  }
0x41: {  	s13 =	smul.u32 $0xA0, s12;
	[sflag:s30] =	ssyncset.done $0x0  }
0x42: {  	[sflag:s30] =	ssyncadd.s32 $0xFFFFEC00  }
0x43: {  	s8 =	sadd.s32 s13, s14;
	_ =	swait.ge [sflag:s31], $0x1400  }
0x44: {  	s8 =	sshrl.u32 s8, $0x3;
	[sflag:s31] =	ssyncset.done $0x0  }
0x45: {  	s9 =	sadd.s32 s1, s8;
	[sflag:s31] =	ssyncadd.s32 $0xFFFFEC00  }
0x46: {  	[tilespmem:s6], [sflag:$0x1] =	stream.linear.gather [hbm4b:s9+s6], $0x50, $0x38;
	[tilespmem:$0x1B5D0] =	vst v63  }
0x47: {  	s17 =	simm.s32 $0x180;
	s8 =	sadd.s32 s2, s8  }
0x48: {  	[tilespmem:s21], [sflag:$0x1] =	stream.linear.gather [hbm4b:s8+s6], $0x50, $0x38;
	[tilespmem:$0x1B5D0] =	vst v63  }
0x49: {  	s18 =	simm.s32 $0x1580;
	v4 =	vld [tilespmem:s17+$0x0]  }
0x4a: {  	v5 =	vld [tilespmem:s18+$0x0]  }
0x4b: {  	v6 =	vld [tilespmem:s17+$0x10]  }
0x4c: {  	v7 =	vld [tilespmem:s18+$0x10]  }
0x4d: {  	v8 =	vld [tilespmem:s17+$0x20]  }
0x4e: {  	v9 =	vld [tilespmem:s18+$0x20]  }
0x4f: {  	v10 =	vld [tilespmem:s17+$0x30]  }
0x50: {  	v11 =	vld [tilespmem:s18+$0x30];
	_ =	sdelay $0x3  }
0x51: {  	v12 =	vmul.f32 v5, v4;
	v13 =	vmul.f32 v7, v6  }
0x52: {  	v14 =	vld [tilespmem:s18+$0xFFFFFFC0];
	v15 =	vmul.f32 v9, v8;
	v16 =	vmul.f32 v11, v10;
	v4 =	vshll.u32 v4, $0x10  }
0x53: {  	v17 =	vld [tilespmem:s17+$0xFFFFFFD0];
	v5 =	vshll.u32 v5, $0x10;
	v6 =	vshll.u32 v6, $0x10;
	v7 =	vshll.u32 v7, $0x10  }
0x54: {  	v18 =	vld [tilespmem:s18+$0xFFFFFFD0];
	v8 =	vshll.u32 v8, $0x10;
	v10 =	vshll.u32 v10, $0x10;
	v4 =	vmul.f32 v5, v4  }
0x55: {  	v5 =	vshll.u32 v9, $0x10;
	v9 =	vld [tilespmem:s17+$0xFFFFFFE0];
	v6 =	vmul.f32 v7, v6;
	v7 =	vshll.u32 v11, $0x10  }
0x56: {  	v11 =	vld [tilespmem:s18+$0xFFFFFFE0];
	v5 =	vmul.f32 v5, v8;
	v7 =	vmul.f32 v7, v10  }
0x57: {  	v8 =	vld [tilespmem:s17+$0xFFFFFFC0];
	v4 =	vadd.f32 v4, v12;
	v6 =	vadd.f32 v6, v13  }
0x58: {  	v10 =	vld [tilespmem:s17+$0xFFFFFFF0];
	v5 =	vadd.f32 v5, v15;
	v7 =	vadd.f32 v7, v16  }
0x59: {  	s19 =	simm.s32 $0x200;
	v12 =	vld [tilespmem:s18+$0xFFFFFFF0];
	v15 =	vshll.u32 v17, $0x10;
	v17 =	vmul.f32 v18, v17  }
0x5a: {  	v23 =	vld [tilespmem:s19+$0x20];
	v4 =	vadd.f32 v6, v4;
	v6 =	vshll.u32 v14, $0x10;
	v5 =	vadd.f32 v7, v5  }
0x5b: {  	s20 =	simm.s32 $0x1600;
	v13 =	vld [tilespmem:s19+$0x0];
	v20 =	vshll.u32 v9, $0x10;
	v21 =	vshll.u32 v11, $0x10;
	v9 =	vmul.f32 v11, v9  }
0x5c: {  	v7 =	vld [tilespmem:s20+$0x0];
	v16 =	vshll.u32 v8, $0x10;
	v8 =	vmul.f32 v14, v8;
	v4 =	vadd.f32 v5, v4  }
0x5d: {  	v11 =	vld [tilespmem:s20+$0x30];
	v5 =	vshll.u32 v18, $0x10;
	v6 =	vmul.f32 v6, v16;
	v16 =	vshll.u32 v10, $0x10  }
0x5e: {  	v25 =	vshll.u32 v12, $0x10;
	v5 =	vmul.f32 v5, v15;
	v15 =	vmul.f32 v21, v20;
	v20 =	vld [tilespmem:s20+$0x20]  }
0x5f: {  	v14 =	vmul.f32 v25, v16;
	v16 =	vld [tilespmem:s19+$0x30];
	v24 =	vperm.xlane v4, v0  }
0x60: {  	v19 =	vld [tilespmem:s19+$0x10];
	v6 =	vadd.f32 v6, v8;
	v5 =	vadd.f32 v5, v17  }
0x61: {  	v22 =	vld [tilespmem:s20+$0x10];
	v8 =	vmul.f32 v12, v10;
	v9 =	vadd.f32 v15, v9;
	v4 =	vadd.f32 v4, v24  }
0x62: {  	v12 =	vld [tilespmem:s20+$0xFFFFFFC0];
	v15 =	vmul.f32 v7, v13;
	v13 =	vshll.u32 v13, $0x10;
	v7 =	vshll.u32 v7, $0x10  }
0x63: {  	v25 =	vld [tilespmem:s20+$0xFFFFFFE0];
	v8 =	vadd.f32 v14, v8;
	v7 =	vmul.f32 v7, v13;
	v10 =	vperm.xlane v4, v1  }
0x64: {  	v26 =	vld [tilespmem:s19+$0xFFFFFFC0];
	v5 =	vadd.f32 v5, v6;
	v17 =	vmul.f32 v20, v23;
	v21 =	vmul.f32 v11, v16  }
0x65: {  	v14 =	vld [tilespmem:s19+$0xFFFFFFD0];
	v23 =	vshll.u32 v23, $0x10;
	v13 =	vshll.u32 v20, $0x10;
	v16 =	vshll.u32 v16, $0x10  }
0x66: {  	v11 =	vshll.u32 v11, $0x10;
	v8 =	vadd.f32 v8, v9;
	v7 =	vadd.f32 v7, v15  }
0x67: {  	v6 =	vld [tilespmem:s20+$0xFFFFFFD0];
	v13 =	vmul.f32 v13, v23;
	v11 =	vmul.f32 v11, v16;
	v15 =	vshll.u32 v12, $0x10  }
0x68: {  	v18 =	vld [tilespmem:s19+$0xFFFFFFE0];
	v23 =	vshll.u32 v25, $0x10;
	v4 =	vadd.f32 v4, v10;
	v10 =	vmul.f32 v22, v19  }
0x69: {  	v20 =	vld [tilespmem:s19+$0xFFFFFFF0];
	v19 =	vshll.u32 v19, $0x10;
	v22 =	vshll.u32 v22, $0x10;
	v8 =	vadd.f32 v8, v5  }
0x6a: {  	v9 =	vld [tilespmem:s20+$0xFFFFFFF0];
	v5 =	vmul.f32 v12, v26;
	v19 =	vmul.f32 v22, v19;
	v16 =	vshll.u32 v14, $0x10  }
0x6b: {  	v13 =	vadd.f32 v13, v17;
	v11 =	vadd.f32 v11, v21;
	v17 =	vshll.u32 v26, $0x10  }
0x6c: {  	v24 =	vperm.xlane v4, v2;
	v10 =	vadd.f32 v19, v10;
	v19 =	vshll.u32 v6, $0x10  }
0x6d: {  	s9 =	simm.s32 $0x280;
	v21 =	vshll.u32 v18, $0x10;
	v6 =	vmul.f32 v6, v14;
	v16 =	vmul.f32 v19, v16  }
0x6e: {  	s16 =	simm.s32 $0x1680;
	v22 =	vld [tilespmem:s9+$0x0];
	v19 =	vmul.f32 v23, v21;
	v7 =	vadd.f32 v10, v7;
	v10 =	vadd.f32 v11, v13  }
0x6f: {  	v11 =	vld [tilespmem:s16+$0x0];
	v13 =	vmul.f32 v15, v17;
	v15 =	vshll.u32 v20, $0x10;
	v17 =	vshll.u32 v9, $0x10  }
0x70: {  	v4 =	vadd.f32 v4, v24;
	v9 =	vmul.f32 v9, v20;
	v12 =	vmul.f32 v17, v15;
	v15 =	vld [tilespmem:s9+$0x20]  }
0x71: {  	v17 =	vld [tilespmem:s16+$0x20];
	v7 =	vadd.f32 v10, v7;
	v13 =	vadd.f32 v13, v5;
	v5 =	vmul.f32 v25, v18  }
0x72: {  	v27 =	vld [tilespmem:s9+$0x10];
	v6 =	vadd.f32 v16, v6;
	v18 =	vperm.xlane v4, v3  }
0x73: {  	v20 =	vld [tilespmem:s9+$0x30];
	v9 =	vadd.f32 v12, v9;
	v14 =	vperm.xlane v7, v0;
	v16 =	vadd.f32 v19, v5  }
0x74: {  	v10 =	vld [tilespmem:s16+$0x10];
	v5 =	vadd.f32 v4, v18;
	v4 =	vperm.xlane v8, v0;
	v6 =	vadd.f32 v6, v13  }
0x75: {  	v19 =	vshll.u32 v22, $0x10;
	v7 =	vadd.f32 v7, v14;
	v14 =	vld [tilespmem:s16+$0x30];
	v9 =	vadd.f32 v9, v16  }
0x76: {  	v4 =	vadd.f32 v8, v4;
	v8 =	vmul.f32 v11, v22;
	v13 =	vmul.f32 v17, v15  }
0x77: {  	v11 =	vshll.u32 v11, $0x10;
	v22 =	vshll.u32 v27, $0x10;
	v12 =	vperm.xlane v7, v1  }
0x78: {  	v21 =	vld [tilespmem:s9+$0xFFFFFFD0];
	v15 =	vshll.u32 v15, $0x10;
	v17 =	vshll.u32 v17, $0x10;
	v11 =	vmul.f32 v11, v19  }
0x79: {  	v23 =	vld [tilespmem:s16+$0xFFFFFFD0];
	v15 =	vmul.f32 v17, v15;
	v6 =	vadd.f32 v9, v6;
	v7 =	vadd.f32 v7, v12  }
0x7a: {  	v19 =	vld [tilespmem:s9+$0xFFFFFFE0];
	v12 =	vmul.f32 v10, v27;
	v10 =	vshll.u32 v10, $0x10;
	v16 =	vmul.f32 v14, v20  }
0x7b: {  	v9 =	vld [tilespmem:s16+$0xFFFFFFC0];
	v20 =	vshll.u32 v20, $0x10;
	v10 =	vmul.f32 v10, v22;
	v14 =	vshll.u32 v14, $0x10  }
0x7c: {  	v8 =	vadd.f32 v11, v8;
	v18 =	vperm.xlane v7, v2;
	v14 =	vmul.f32 v14, v20;
	v20 =	vld [tilespmem:s16+$0xFFFFFFE0]  }
0x7d: {  	v17 =	vperm.xlane v4, v1;
	v11 =	vld [tilespmem:s9+$0xFFFFFFF0];
	v10 =	vadd.f32 v10, v12;
	v12 =	vadd.f32 v15, v13  }
0x7e: {  	v7 =	vadd.f32 v7, v18;
	v18 =	vld [tilespmem:s9+$0xFFFFFFC0];
	v13 =	vadd.f32 v14, v16  }
0x7f: {  	v4 =	vadd.f32 v4, v17;
	v17 =	vshll.u32 v21, $0x10;
	v24 =	vshll.u32 v19, $0x10;
	v14 =	vld [tilespmem:s16+$0xFFFFFFF0]  }
0x80: {  	v16 =	vshll.u32 v9, $0x10;
	v8 =	vadd.f32 v10, v8;
	v10 =	vadd.f32 v13, v12  }
0x81: {  	s18 =	simm.s32 $0x1700;
	v15 =	vperm.xlane v7, v3;
	v13 =	vshll.u32 v23, $0x10;
	v26 =	vshll.u32 v20, $0x10  }
0x82: {  	s17 =	simm.s32 $0x300;
	v25 =	vld [tilespmem:s18+$0x0];
	v17 =	vmul.f32 v13, v17;
	v19 =	vmul.f32 v20, v19;
	v8 =	vadd.f32 v10, v8  }
0x83: {  	v22 =	vld [tilespmem:s17+$0x0];
	v10 =	vshll.u32 v11, $0x10;
	v24 =	vmul.f32 v26, v24;
	v13 =	vadd.f32 v7, v15  }
0x84: {  	v26 =	vld [tilespmem:s18+$0x10];
	v12 =	vshll.u32 v18, $0x10;
	v9 =	vmul.f32 v9, v18;
	v11 =	vmul.f32 v14, v11  }
0x85: {  	v15 =	vld [tilespmem:s18+$0x20];
	v27 =	vshll.u32 v14, $0x10;
	v12 =	vmul.f32 v16, v12;
	v28 =	vperm.xlane v8, v0  }
0x86: {  	v18 =	vld [tilespmem:s17+$0x20];
	v7 =	vmul.f32 v27, v10;
	v10 =	vmul.f32 v23, v21;
	v14 =	vadd.f32 v24, v19  }
0x87: {  	v16 =	vld [tilespmem:s17+$0x10];
	v21 =	vperm.xlane v6, v0;
	v8 =	vadd.f32 v8, v28;
	v9 =	vadd.f32 v12, v9  }
0x88: {  	v10 =	vadd.f32 v17, v10;
	v7 =	vadd.f32 v7, v11  }
0x89: {  	v20 =	vld [tilespmem:s17+$0x30];
	v6 =	vadd.f32 v6, v21;
	v11 =	vperm.xlane v4, v2;
	v17 =	vperm.xlane v8, v1  }
0x8a: {  	v12 =	vld [tilespmem:s18+$0x30];
	v9 =	vadd.f32 v10, v9;
	v10 =	vmul.f32 v25, v22;
	v7 =	vadd.f32 v7, v14  }
0x8b: {  	v21 =	vmul.f32 v15, v18;
	v22 =	vshll.u32 v22, $0x10;
	v25 =	vshll.u32 v25, $0x10  }
0x8c: {  	v59 =	vld [tilespmem:s17+$0xFFFFFFE0];
	v18 =	vshll.u32 v18, $0x10;
	v15 =	vshll.u32 v15, $0x10;
	v14 =	vmul.f32 v26, v16  }
0x8d: {  	v27 =	vld [tilespmem:s18+$0xFFFFFFD0];
	v16 =	vshll.u32 v16, $0x10;
	v26 =	vshll.u32 v26, $0x10;
	v22 =	vmul.f32 v25, v22  }
0x8e: {  	v19 =	vld [tilespmem:s18+$0xFFFFFFC0];
	v15 =	vmul.f32 v15, v18;
	v8 =	vadd.f32 v8, v17;
	v17 =	vperm.xlane v6, v1  }
0x8f: {  	v23 =	vld [tilespmem:s17+$0xFFFFFFD0];
	v4 =	vadd.f32 v4, v11;
	v16 =	vmul.f32 v26, v16;
	v11 =	vmul.f32 v12, v20  }
0x90: {  	v25 =	vld [tilespmem:s18+$0xFFFFFFE0];
	v20 =	vshll.u32 v20, $0x10;
	v12 =	vshll.u32 v12, $0x10;
	v24 =	vperm.xlane v8, v2  }
0x91: {  	v18 =	vld [tilespmem:s18+$0xFFFFFFF0];
	v7 =	vadd.f32 v7, v9;
	v10 =	vadd.f32 v22, v10;
	v12 =	vmul.f32 v12, v20  }
0x92: {  	v15 =	vadd.f32 v15, v21;
	v21 =	vshll.u32 v27, $0x10;
	v8 =	vadd.f32 v8, v24;
	v24 =	vld [tilespmem:s17+$0xFFFFFFC0]  }
0x93: {  	v9 =	vld [tilespmem:s17+$0xFFFFFFF0];
	v22 =	vshll.u32 v59, $0x10;
	v14 =	vadd.f32 v16, v14;
	v11 =	vadd.f32 v12, v11  }
0x94: {  	s16 =	simm.s32 $0x1780;
	v20 =	vshll.u32 v19, $0x10;
	v16 =	vshll.u32 v23, $0x10;
	v6 =	vadd.f32 v6, v17  }
0x95: {  	v17 =	vld [tilespmem:s16+$0x10];
	v10 =	vadd.f32 v14, v10;
	v14 =	vshll.u32 v25, $0x10;
	v11 =	vadd.f32 v11, v15  }
0x96: {  	s19 =	simm.s32 $0x380;
	v16 =	vmul.f32 v21, v16;
	v21 =	vshll.u32 v18, $0x10;
	v14 =	vmul.f32 v14, v22;
	v15 =	vld [tilespmem:s16+$0x0]  }
0x97: {  	v22 =	vld [tilespmem:s19+$0x10];
	v26 =	vperm.xlane v8, v3;
	v10 =	vadd.f32 v11, v10;
	v12 =	vshll.u32 v24, $0x10  }
0x98: {  	v11 =	vmul.f32 v19, v24;
	v12 =	vmul.f32 v20, v12;
	v20 =	vshll.u32 v9, $0x10  }
0x99: {  	v9 =	vmul.f32 v18, v9;
	v19 =	vmul.f32 v21, v20  }
0x9a: {  	v21 =	vadd.f32 v8, v26;
	v8 =	vmul.f32 v27, v23;
	v23 =	vperm.xlane v10, v0  }
0x9b: {  	v29 =	vld [tilespmem:s19+$0x0];
	v30 =	vshll.u32 v15, $0x10;
	v11 =	vadd.f32 v12, v11;
	v12 =	vmul.f32 v25, v59  }
0x9c: {  	v24 =	vld [tilespmem:s16+$0x20];
	v25 =	vmul.f32 v17, v22;
	v22 =	vshll.u32 v22, $0x10;
	v10 =	vadd.f32 v10, v23  }
0x9d: {  	v20 =	vld [tilespmem:s19+$0x20];
	v17 =	vshll.u32 v17, $0x10;
	v8 =	vadd.f32 v16, v8;
	v16 =	vperm.xlane v7, v0  }
0x9e: {  	v18 =	vld [tilespmem:s19+$0x30];
	v9 =	vadd.f32 v19, v9;
	v22 =	vmul.f32 v17, v22;
	v19 =	vperm.xlane v10, v1  }
0x9f: {  	s18 =	simm.s32 $0x5150;
	v23 =	vld [tilespmem:s16+$0x30];
	v12 =	vadd.f32 v14, v12;
	v14 =	vperm.xlane v6, v2;
	v11 =	vadd.f32 v8, v11  }
0xa0: {  	[tilespmem:s18+$0x0] =	vst v5;
	v5 =	vld [tilespmem:s16+$0xFFFFFFE0];
	v7 =	vadd.f32 v7, v16;
	v16 =	vmul.f32 v15, v29;
	v19 =	vadd.f32 v10, v19  }
0xa1: {  	v29 =	vshll.u32 v29, $0x10;
	v15 =	vld [tilespmem:s19+$0xFFFFFFC0];
	v9 =	vadd.f32 v9, v12;
	v6 =	vadd.f32 v6, v14  }
0xa2: {  	v26 =	vmul.f32 v24, v20;
	v14 =	vld [tilespmem:s19+$0xFFFFFFE0];
	v20 =	vshll.u32 v20, $0x10;
	v60 =	vperm.xlane v19, v2  }
0xa3: {  	v61 =	vmul.f32 v30, v29;
	v24 =	vshll.u32 v24, $0x10;
	v12 =	vperm.xlane v7, v1;
	v10 =	vld [tilespmem:s16+$0xFFFFFFC0]  }
0xa4: {  	v9 =	vadd.f32 v9, v11;
	v11 =	vld [tilespmem:s19+$0xFFFFFFD0];
	v27 =	vmul.f32 v23, v18;
	v19 =	vadd.f32 v19, v60  }
0xa5: {  	s17 =	simm.s32 $0x5170;
	v17 =	vadd.f32 v61, v16;
	v16 =	vmul.f32 v24, v20;
	v7 =	vadd.f32 v7, v12;
	v12 =	vld [tilespmem:s16+$0xFFFFFFD0]  }
0xa6: {  	[tilespmem:s17+$0x0] =	vst v13;
	v13 =	vld [tilespmem:s19+$0xFFFFFFF0];
	v18 =	vshll.u32 v18, $0x10;
	v23 =	vshll.u32 v23, $0x10;
	v62 =	vperm.xlane v19, v3  }
0xa7: {  	v24 =	vmul.f32 v23, v18;
	v23 =	vadd.f32 v16, v26;
	v16 =	vld [tilespmem:s16+$0xFFFFFFF0]  }
0xa8: {  	s20 =	simm.s32 $0x5190;
	v8 =	vperm.xlane v4, v3;
	v20 =	vadd.f32 v22, v25;
	v63 =	vadd.f32 v19, v62  }
0xa9: {  	s8 =	simm.s32 $0x51B0;
	[tilespmem:s20+$0x0] =	vst v21;
	v25 =	vshll.u32 v15, $0x10;
	v24 =	vadd.f32 v24, v27;
	v21 =	vshll.u32 v14, $0x10  }
0xaa: {  	s9 =	simm.s32 $0x8;
	s19 =	simm.s32 $0x400;
	v18 =	vshll.u32 v10, $0x10;
	v22 =	vshll.u32 v12, $0x10;
	v19 =	vshll.u32 v11, $0x10;
	[tilespmem:s8+$0x0] =	vst v63  }
.LBB2_3:
0xab: {  	v26 =	vld [tilespmem:s19+$0x0];
	v27 =	vshll.u32 v5, $0x10;
	v17 =	vadd.f32 v20, v17;
	v20 =	vadd.f32 v24, v23;
	s16 =	sadd.s32 $0x80, s16  }
0xac: {  	v18 =	vmul.f32 v18, v25;
	v24 =	vshll.u32 v13, $0x10;
	v25 =	vshll.u32 v16, $0x10;
	v23 =	vld [tilespmem:s16+$0x0]  }
0xad: {  	v19 =	vmul.f32 v22, v19;
	v21 =	vmul.f32 v27, v21;
	v28 =	vld [tilespmem:s19+$0x10];
	v17 =	vadd.f32 v20, v17  }
0xae: {  	v10 =	vmul.f32 v10, v15;
	v8 =	vadd.f32 v4, v8;
	v4 =	vmovc v6;
	v15 =	vmul.f32 v25, v24;
	v20 =	vld [tilespmem:s16+$0x10]  }
0xaf: {  	v6 =	vmul.f32 v12, v11;
	v22 =	vld [tilespmem:s19+$0x20];
	v11 =	vperm.xlane v17, v0  }
0xb0: {  	v5 =	vmul.f32 v5, v14;
	v12 =	vadd.f32 v18, v10;
	v10 =	vmul.f32 v16, v13;
	v24 =	vld [tilespmem:s16+$0x20];
	[tilespmem:s18+$0xFFFFFFF0] =	vst v8;
	s18 =	smov.u32 s17;
	s17 =	smov.u32 s20;
	s20 =	smov.u32 s8  }
0xb1: {  	v6 =	vadd.f32 v19, v6;
	v8 =	vperm.xlane v9, v0;
	v18 =	vld [tilespmem:s19+$0x30];
	v13 =	vadd.f32 v17, v11  }
0xb2: {  	v5 =	vadd.f32 v21, v5;
	v14 =	vadd.f32 v15, v10;
	v15 =	vperm.xlane v7, v2;
	v17 =	vld [tilespmem:s16+$0x30]  }
0xb3: {  	v16 =	vadd.f32 v6, v12;
	v21 =	vadd.f32 v9, v8;
	v10 =	vld [tilespmem:s16+$0xFFFFFFC0];
	v19 =	vperm.xlane v13, v1  }
0xb4: {  	v5 =	vadd.f32 v14, v5;
	v6 =	vadd.f32 v7, v15;
	v8 =	vperm.xlane v4, v3;
	v11 =	vld [tilespmem:s19+$0xFFFFFFD0]  }
0xb5: {  	v25 =	vmul.f32 v23, v26;
	v7 =	vperm.xlane v21, v1;
	v12 =	vld [tilespmem:s16+$0xFFFFFFD0];
	v15 =	vadd.f32 v13, v19  }
0xb6: {  	s9 =	sadd.s32 $0x2, s9;
	v9 =	vadd.f32 v5, v16;
	v19 =	vmul.f32 v20, v28;
	v27 =	vmul.f32 v24, v22;
	v14 =	vld [tilespmem:s19+$0xFFFFFFE0]  }
0xb7: {  	p0 =	slt.u32 s9, $0x4E;
	v7 =	vadd.f32 v21, v7;
	v5 =	vld [tilespmem:s16+$0xFFFFFFE0];
	v29 =	vmul.f32 v17, v18;
	v30 =	vperm.xlane v15, v2  }
0xb8: {  	v23 =	vshll.u32 v23, $0x10;
	v21 =	vshll.u32 v26, $0x10;
	v26 =	vshll.u32 v28, $0x10;
	v13 =	vld [tilespmem:s19+$0xFFFFFFF0]  }
0xb9: {  	v20 =	vshll.u32 v20, $0x10;
	v22 =	vshll.u32 v22, $0x10;
	v16 =	vld [tilespmem:s16+$0xFFFFFFF0];
	v28 =	vadd.f32 v15, v30  }
0xba: {  	v21 =	vmul.f32 v23, v21;
	v23 =	vshll.u32 v24, $0x10;
	v18 =	vshll.u32 v18, $0x10;
	v15 =	vld [tilespmem:s19+$0xFFFFFFC0]  }
.Ltmp0:
0xbb: {  	v20 =	vmul.f32 v20, v26;
	v24 =	vshll.u32 v17, $0x10;
	v26 =	vperm.xlane v28, v3;
	(pc) =	sbr.rel @p0 .LBB2_3-.Ltmp0, $4  }
0xbc: {  	v17 =	vadd.f32 v21, v25;
	v21 =	vmul.f32 v23, v22;
	v22 =	vmul.f32 v24, v18  }
0xbd: {  	v18 =	vshll.u32 v10, $0x10;
	v20 =	vadd.f32 v20, v19;
	v26 =	vadd.f32 v28, v26  }
0xbe: {  	s8 =	sadd.s32 $0x20, s8;
	v19 =	vshll.u32 v11, $0x10;
	v23 =	vadd.f32 v21, v27;
	v24 =	vadd.f32 v22, v29  }
0xbf: {  	s19 =	sadd.s32 $0x80, s19;
	v22 =	vshll.u32 v12, $0x10;
	v21 =	vshll.u32 v14, $0x10;
	v25 =	vshll.u32 v15, $0x10;
	[tilespmem:s8+$0x0] =	vst v26  }
0xc0: {  	v26 =	vshll.u32 v5, $0x10;
	v18 =	vmul.f32 v18, v25;
	v19 =	vmul.f32 v22, v19  }
0xc1: {  	v47 =	vshll.u32 v13, $0x10;
	v10 =	vmul.f32 v10, v15;
	v11 =	vmul.f32 v12, v11  }
0xc2: {  	v48 =	vshll.u32 v16, $0x10;
	v5 =	vmul.f32 v5, v14;
	v51 =	vmul.f32 v16, v13  }
0xc3: {  	v21 =	vmul.f32 v26, v21;
	v49 =	vmul.f32 v48, v47  }
0xc4: {  	v10 =	vadd.f32 v18, v10;
	v11 =	vadd.f32 v19, v11  }
0xc5: {  	v5 =	vadd.f32 v21, v5;
	v13 =	vadd.f32 v49, v51  }
0xc6: {  	v17 =	vadd.f32 v20, v17;
	v46 =	vadd.f32 v24, v23  }
0xc7: {  	v10 =	vadd.f32 v11, v10;
	v5 =	vadd.f32 v13, v5  }
0xc8: {  	v50 =	vadd.f32 v46, v17  }
0xc9: {  	v54 =	vperm.xlane v9, v0;
	v5 =	vadd.f32 v5, v10  }
0xca: {  	v52 =	vperm.xlane v50, v0  }
0xcb: {  	v9 =	vadd.f32 v9, v54;
	v55 =	vperm.xlane v5, v0  }
0xcc: {  	v53 =	vadd.f32 v50, v52  }
0xcd: {  	v57 =	vperm.xlane v9, v1;
	v5 =	vadd.f32 v5, v55  }
0xce: {  	v12 =	vperm.xlane v53, v1  }
0xcf: {  	v9 =	vadd.f32 v9, v57;
	v13 =	vperm.xlane v5, v1  }
0xd0: {  	v58 =	vperm.xlane v7, v2;
	v56 =	vadd.f32 v53, v12  }
0xd1: {  	v59 =	vperm.xlane v9, v2;
	v5 =	vadd.f32 v5, v13  }
0xd2: {  	v4 =	vadd.f32 v4, v8;
	v7 =	vadd.f32 v7, v58;
	v12 =	vperm.xlane v56, v2  }
0xd3: {  	v61 =	vperm.xlane v6, v3;
	v9 =	vadd.f32 v9, v59;
	v13 =	vperm.xlane v5, v2  }
0xd4: {  	v62 =	vperm.xlane v7, v3;
	v10 =	vadd.f32 v56, v12  }
0xd5: {  	[tilespmem:s18+$0xFFFFFFF0] =	vst v4;
	v4 =	vadd.f32 v6, v61;
	v6 =	vperm.xlane v9, v3;
	v5 =	vadd.f32 v5, v13  }
0xd6: {  	v7 =	vadd.f32 v7, v62;
	v60 =	vperm.xlane v10, v3  }
0xd7: {  	[tilespmem:s17+$0xFFFFFFF0] =	vst v4;
	v4 =	vadd.f32 v9, v6;
	v63 =	vperm.xlane v5, v3  }
0xd8: {  	p0 =	por $0x1, $0x1;
	[tilespmem:s20+$0xFFFFFFF0] =	vst v7;
	v10 =	vadd.f32 v10, v60  }
.Ltmp1:
0xd9: {  	s16 =	sadd.s32 $0x20, s8;
	[tilespmem:s8+$0xFFFFFFF0] =	vst v4;
	v5 =	vadd.f32 v5, v63;
	(pc) =	sbr.rel @!p0 .LBB2_6-.Ltmp1, $4  }
0xda: {  	[tilespmem:s16+$0x0] =	vst v10  }
0xdb: {  	s9 =	simm.s32 $0x51C0;
	[tilespmem:s16+$0xFFFFFFF0] =	vst v5  }
0xdc: {  	v4 =	vld [tilespmem:s9+$0xFFFFFF90]  }
0xdd: {  	s8 =	simm.s32 $0x0;
	s16 =	simm.s32 $0x40;
	v5 =	vld [tilespmem:s9+$0xFFFFFF80]  }
.LBB2_5:
0xde: {  	p0 =	sne.s32 s16, $0x100;
	v6 =	vld [tilespmem:s9+$0xFFFFFFA0]  }
0xdf: {  	v7 =	vld [tilespmem:s9+$0xFFFFFFB0]  }
0xe0: {  	v8 =	vld [tilespmem:s9+$0xFFFFFFC0]  }
0xe1: {  	v9 =	vld [tilespmem:s9+$0xFFFFFFD0]  }
0xe2: {  	v4 =	vsel vm0, v5, v4;
	v5 =	vld [tilespmem:s9+$0xFFFFFFE0]  }
0xe3: {  	v4 =	vsel vm1, v4, v6;
	v6 =	vld [tilespmem:s9+$0xFFFFFFF0]  }
0xe4: {  	v4 =	vsel vm2, v4, v7;
	v7 =	vld [tilespmem:s9+$0x0]  }
0xe5: {  	v4 =	vsel vm3, v4, v8;
	v8 =	vld [tilespmem:s9+$0x10]  }
0xe6: {  	v4 =	vsel vm4, v4, v9;
	v9 =	vld [tilespmem:s9+$0x20]  }
0xe7: {  	v4 =	vsel vm5, v4, v5;
	v5 =	vld [tilespmem:s9+$0x30]  }
0xe8: {  	v4 =	vsel vm6, v4, v6;
	v6 =	vld [tilespmem:s9+$0x40]  }
0xe9: {  	v4 =	vsel vm7, v4, v7;
	v7 =	vld [tilespmem:s9+$0x50]  }
0xea: {  	v4 =	vsel vm8, v4, v8;
	v8 =	vld [tilespmem:s9+$0x60]  }
0xeb: {  	v4 =	vsel vm9, v4, v9;
	v9 =	vld [tilespmem:s9+$0x70]  }
0xec: {  	v4 =	vsel vm10, v4, v5  }
0xed: {  	v4 =	vsel vm11, v4, v6  }
0xee: {  	v4 =	vsel vm12, v4, v7  }
.Ltmp2:
0xef: {  	s17 =	sshra.s32 s8, $0x2;
	s8 =	smov.u32 s16;
	v4 =	vsel vm13, v4, v8;
	(pc) =	sbr.rel @p0 .LBB2_5-.Ltmp2, $4  }
0xf0: {  	s17 =	sadd.s32 s17, s11;
	v4 =	vsel vm14, v4, v9  }
0xf1: {  	s9 =	sadd.s32 $0x100, s9;
	[tilespmem:s17+$0x0] =	vst v4  }
0xf2: {  	v4 =	vld [tilespmem:s9+$0xFFFFFF90]  }
0xf3: {  	s16 =	sadd.s32 $0x40, s16;
	v5 =	vld [tilespmem:s9+$0xFFFFFF80]  }
.LBB2_6:
0xf4: {  	v6 =	vld [tilespmem:s9+$0xFFFFFFA0]  }
0xf5: {  	v7 =	vld [tilespmem:s9+$0xFFFFFFB0]  }
0xf6: {  	v8 =	vld [tilespmem:s9+$0xFFFFFFC0]  }
0xf7: {  	v9 =	vld [tilespmem:s9+$0xFFFFFFD0]  }
0xf8: {  	v4 =	vsel vm0, v5, v4;
	v5 =	vld [tilespmem:s9+$0xFFFFFFE0]  }
0xf9: {  	v4 =	vsel vm1, v4, v6;
	v6 =	vld [tilespmem:s9+$0xFFFFFFF0]  }
0xfa: {  	v4 =	vsel vm2, v4, v7;
	v7 =	vld [tilespmem:s9+$0x0]  }
0xfb: {  	v4 =	vsel vm3, v4, v8;
	v8 =	vld [tilespmem:s9+$0x10]  }
0xfc: {  	v4 =	vsel vm4, v4, v9;
	v9 =	vld [tilespmem:s9+$0x20]  }
0xfd: {  	v4 =	vsel vm5, v4, v5;
	v5 =	vld [tilespmem:s9+$0x30]  }
0xfe: {  	v4 =	vsel vm6, v4, v6;
	v6 =	vld [tilespmem:s9+$0x40]  }
0xff: {  	v4 =	vsel vm7, v4, v7;
	v7 =	vld [tilespmem:s9+$0x50]  }
0x100: {  	v4 =	vsel vm8, v4, v8;
	v8 =	vld [tilespmem:s9+$0x60]  }
0x101: {  	v4 =	vsel vm9, v4, v9;
	v9 =	vld [tilespmem:s9+$0x70]  }
0x102: {  	v4 =	vsel vm10, v4, v5  }
0x103: {  	v4 =	vsel vm11, v4, v6  }
0x104: {  	v4 =	vsel vm12, v4, v7  }
0x105: {  	s8 =	sshra.s32 s8, $0x2;
	v4 =	vsel vm13, v4, v8  }
0x106: {  	s8 =	sadd.s32 s8, s11;
	v4 =	vsel vm14, v4, v9  }
0x107: {  	[tilespmem:s8+$0x0] =	vst v4  }
0x108: {  	_ =	swait.ge [sflag:s0], $0x50  }
0x109: {  	[sflag:s0] =	ssyncset.done $0x0  }
0x10a: {  	[sflag:s0] =	ssyncadd.s32 $0xFFFFFFB0  }
0x10b: {  	_ =	swait.ge [sflag:s0], $0x50  }
0x10c: {  	[sflag:s0] =	ssyncset.done $0x0  }
0x10d: {  	[sflag:s0] =	ssyncadd.s32 $0xFFFFFFB0  }
0x10e: {  	[tilespmem:s22], [sflag:$0x3] =	stream.indirect.gather [spmem:s3], $0x40, s6, s21, $0xb8;
	[tilespmem:$0x1B5D0] =	vst v63  }
0x10f: {  	_ = 	snop  }
0x110: {  	[tilespmem:s23], [sflag:$0x4] =	stream.indirect.gather [spmem:s4], $0x40, s21, s21, $0xb8;
	[tilespmem:$0x1B5D0] =	vst v63  }
0x111: {  	_ =	swait.ge [sflag:s5], $0x1400  }
0x112: {  	[sflag:s5] =	ssyncset.done $0x0  }
0x113: {  	p0 =	sne.s32 s12, $0x3D;
	[sflag:s5] =	ssyncadd.s32 $0xFFFFEC00  }
0x114: {  	s8 =	sadd.s32 @p0 s13, s15;
	_ =	swait.ge [sflag:s7], $0x1400  }
0x115: {  	s16 =	simm.s32 @p0 $0xA0;
	s8 =	sshrl.u32 @p0 s8, $0x3;
	[sflag:s7] =	ssyncset.done $0x0  }
0x116: {  	s13 =	simm.s32 @p0 $0x0;
	s9 =	sadd.s32 @p0 s1, s8;
	[sflag:s7] =	ssyncadd.s32 $0xFFFFEC00  }
0x117: {  	[tilespmem:s16], [sflag:$0x2] =	stream.linear.gather @p0 [hbm4b:s9+s13], $0x50, $0x38;
	[tilespmem:$0x1B5D0] =	vst v63  }
0x118: {  	s19 =	simm.s32 $0x2980;
	s8 =	sadd.s32 @p0 s2, s8;
	s9 =	simm.s32 @p0 $0xF0  }
0x119: {  	[tilespmem:s9], [sflag:$0x2] =	stream.linear.gather @p0 [hbm4b:s8+s13], $0x50, $0x38;
	[tilespmem:$0x1B5D0] =	vst v63  }
0x11a: {  	s20 =	simm.s32 $0x3D80;
	v4 =	vld [tilespmem:s19+$0x0]  }
0x11b: {  	v5 =	vld [tilespmem:s20+$0x0]  }
0x11c: {  	v6 =	vld [tilespmem:s19+$0x10]  }
0x11d: {  	v7 =	vld [tilespmem:s20+$0x10]  }
0x11e: {  	v8 =	vld [tilespmem:s19+$0x20]  }
0x11f: {  	v9 =	vld [tilespmem:s20+$0x20]  }
0x120: {  	v10 =	vld [tilespmem:s19+$0x30]  }
0x121: {  	v11 =	vld [tilespmem:s20+$0x30];
	_ =	sdelay $0x3  }
0x122: {  	v12 =	vmul.f32 v5, v4;
	v13 =	vmul.f32 v7, v6  }
0x123: {  	v14 =	vld [tilespmem:s20+$0xFFFFFFC0];
	v15 =	vmul.f32 v9, v8;
	v16 =	vmul.f32 v11, v10;
	v4 =	vshll.u32 v4, $0x10  }
0x124: {  	v17 =	vld [tilespmem:s19+$0xFFFFFFD0];
	v5 =	vshll.u32 v5, $0x10;
	v6 =	vshll.u32 v6, $0x10;
	v7 =	vshll.u32 v7, $0x10  }
0x125: {  	v18 =	vld [tilespmem:s20+$0xFFFFFFD0];
	v8 =	vshll.u32 v8, $0x10;
	v10 =	vshll.u32 v10, $0x10;
	v4 =	vmul.f32 v5, v4  }
0x126: {  	v5 =	vshll.u32 v9, $0x10;
	v9 =	vld [tilespmem:s19+$0xFFFFFFE0];
	v6 =	vmul.f32 v7, v6;
	v7 =	vshll.u32 v11, $0x10  }
0x127: {  	v11 =	vld [tilespmem:s20+$0xFFFFFFE0];
	v5 =	vmul.f32 v5, v8;
	v7 =	vmul.f32 v7, v10  }
0x128: {  	v8 =	vld [tilespmem:s19+$0xFFFFFFC0];
	v4 =	vadd.f32 v4, v12;
	v6 =	vadd.f32 v6, v13  }
0x129: {  	v10 =	vld [tilespmem:s19+$0xFFFFFFF0];
	v5 =	vadd.f32 v5, v15;
	v7 =	vadd.f32 v7, v16  }
0x12a: {  	s9 =	simm.s32 $0x2A00;
	v12 =	vld [tilespmem:s20+$0xFFFFFFF0];
	v15 =	vshll.u32 v17, $0x10;
	v17 =	vmul.f32 v18, v17  }
0x12b: {  	v23 =	vld [tilespmem:s9+$0x20];
	v4 =	vadd.f32 v6, v4;
	v6 =	vshll.u32 v14, $0x10;
	v5 =	vadd.f32 v7, v5  }
0x12c: {  	s13 =	simm.s32 $0x3E00;
	v13 =	vld [tilespmem:s9+$0x0];
	v20 =	vshll.u32 v9, $0x10;
	v21 =	vshll.u32 v11, $0x10;
	v9 =	vmul.f32 v11, v9  }
0x12d: {  	v7 =	vld [tilespmem:s13+$0x0];
	v16 =	vshll.u32 v8, $0x10;
	v8 =	vmul.f32 v14, v8;
	v4 =	vadd.f32 v5, v4  }
0x12e: {  	v11 =	vld [tilespmem:s13+$0x30];
	v5 =	vshll.u32 v18, $0x10;
	v6 =	vmul.f32 v6, v16;
	v16 =	vshll.u32 v10, $0x10  }
0x12f: {  	v25 =	vshll.u32 v12, $0x10;
	v5 =	vmul.f32 v5, v15;
	v15 =	vmul.f32 v21, v20;
	v20 =	vld [tilespmem:s13+$0x20]  }
0x130: {  	v14 =	vmul.f32 v25, v16;
	v16 =	vld [tilespmem:s9+$0x30];
	v24 =	vperm.xlane v4, v0  }
0x131: {  	v19 =	vld [tilespmem:s9+$0x10];
	v6 =	vadd.f32 v6, v8;
	v5 =	vadd.f32 v5, v17  }
0x132: {  	v22 =	vld [tilespmem:s13+$0x10];
	v8 =	vmul.f32 v12, v10;
	v9 =	vadd.f32 v15, v9;
	v4 =	vadd.f32 v4, v24  }
0x133: {  	v12 =	vld [tilespmem:s13+$0xFFFFFFC0];
	v15 =	vmul.f32 v7, v13;
	v13 =	vshll.u32 v13, $0x10;
	v7 =	vshll.u32 v7, $0x10  }
0x134: {  	v25 =	vld [tilespmem:s13+$0xFFFFFFE0];
	v8 =	vadd.f32 v14, v8;
	v7 =	vmul.f32 v7, v13;
	v10 =	vperm.xlane v4, v1  }
0x135: {  	v26 =	vld [tilespmem:s9+$0xFFFFFFC0];
	v5 =	vadd.f32 v5, v6;
	v17 =	vmul.f32 v20, v23;
	v21 =	vmul.f32 v11, v16  }
0x136: {  	v14 =	vld [tilespmem:s9+$0xFFFFFFD0];
	v23 =	vshll.u32 v23, $0x10;
	v13 =	vshll.u32 v20, $0x10;
	v16 =	vshll.u32 v16, $0x10  }
0x137: {  	v11 =	vshll.u32 v11, $0x10;
	v8 =	vadd.f32 v8, v9;
	v7 =	vadd.f32 v7, v15  }
0x138: {  	v6 =	vld [tilespmem:s13+$0xFFFFFFD0];
	v13 =	vmul.f32 v13, v23;
	v11 =	vmul.f32 v11, v16;
	v15 =	vshll.u32 v12, $0x10  }
0x139: {  	v18 =	vld [tilespmem:s9+$0xFFFFFFE0];
	v23 =	vshll.u32 v25, $0x10;
	v4 =	vadd.f32 v4, v10;
	v10 =	vmul.f32 v22, v19  }
0x13a: {  	v20 =	vld [tilespmem:s9+$0xFFFFFFF0];
	v19 =	vshll.u32 v19, $0x10;
	v22 =	vshll.u32 v22, $0x10;
	v8 =	vadd.f32 v8, v5  }
0x13b: {  	v9 =	vld [tilespmem:s13+$0xFFFFFFF0];
	v5 =	vmul.f32 v12, v26;
	v19 =	vmul.f32 v22, v19;
	v16 =	vshll.u32 v14, $0x10  }
0x13c: {  	v13 =	vadd.f32 v13, v17;
	v11 =	vadd.f32 v11, v21;
	v17 =	vshll.u32 v26, $0x10  }
0x13d: {  	v24 =	vperm.xlane v4, v2;
	v10 =	vadd.f32 v19, v10;
	v19 =	vshll.u32 v6, $0x10  }
0x13e: {  	s16 =	simm.s32 $0x2A80;
	v21 =	vshll.u32 v18, $0x10;
	v6 =	vmul.f32 v6, v14;
	v16 =	vmul.f32 v19, v16  }
0x13f: {  	s17 =	simm.s32 $0x3E80;
	v22 =	vld [tilespmem:s16+$0x0];
	v19 =	vmul.f32 v23, v21;
	v7 =	vadd.f32 v10, v7;
	v10 =	vadd.f32 v11, v13  }
0x140: {  	v11 =	vld [tilespmem:s17+$0x0];
	v13 =	vmul.f32 v15, v17;
	v15 =	vshll.u32 v20, $0x10;
	v17 =	vshll.u32 v9, $0x10  }
0x141: {  	v4 =	vadd.f32 v4, v24;
	v9 =	vmul.f32 v9, v20;
	v12 =	vmul.f32 v17, v15;
	v15 =	vld [tilespmem:s16+$0x20]  }
0x142: {  	v17 =	vld [tilespmem:s17+$0x20];
	v7 =	vadd.f32 v10, v7;
	v13 =	vadd.f32 v13, v5;
	v5 =	vmul.f32 v25, v18  }
0x143: {  	v27 =	vld [tilespmem:s16+$0x10];
	v6 =	vadd.f32 v16, v6;
	v18 =	vperm.xlane v4, v3  }
0x144: {  	v20 =	vld [tilespmem:s16+$0x30];
	v9 =	vadd.f32 v12, v9;
	v14 =	vperm.xlane v7, v0;
	v16 =	vadd.f32 v19, v5  }
0x145: {  	v10 =	vld [tilespmem:s17+$0x10];
	v5 =	vadd.f32 v4, v18;
	v4 =	vperm.xlane v8, v0;
	v6 =	vadd.f32 v6, v13  }
0x146: {  	v19 =	vshll.u32 v22, $0x10;
	v7 =	vadd.f32 v7, v14;
	v14 =	vld [tilespmem:s17+$0x30];
	v9 =	vadd.f32 v9, v16  }
0x147: {  	v4 =	vadd.f32 v8, v4;
	v8 =	vmul.f32 v11, v22;
	v13 =	vmul.f32 v17, v15  }
0x148: {  	v11 =	vshll.u32 v11, $0x10;
	v22 =	vshll.u32 v27, $0x10;
	v12 =	vperm.xlane v7, v1  }
0x149: {  	v21 =	vld [tilespmem:s16+$0xFFFFFFD0];
	v15 =	vshll.u32 v15, $0x10;
	v17 =	vshll.u32 v17, $0x10;
	v11 =	vmul.f32 v11, v19  }
0x14a: {  	v23 =	vld [tilespmem:s17+$0xFFFFFFD0];
	v15 =	vmul.f32 v17, v15;
	v6 =	vadd.f32 v9, v6;
	v7 =	vadd.f32 v7, v12  }
0x14b: {  	v19 =	vld [tilespmem:s16+$0xFFFFFFE0];
	v12 =	vmul.f32 v10, v27;
	v10 =	vshll.u32 v10, $0x10;
	v16 =	vmul.f32 v14, v20  }
0x14c: {  	v9 =	vld [tilespmem:s17+$0xFFFFFFC0];
	v20 =	vshll.u32 v20, $0x10;
	v10 =	vmul.f32 v10, v22;
	v14 =	vshll.u32 v14, $0x10  }
0x14d: {  	v8 =	vadd.f32 v11, v8;
	v18 =	vperm.xlane v7, v2;
	v14 =	vmul.f32 v14, v20;
	v20 =	vld [tilespmem:s17+$0xFFFFFFE0]  }
0x14e: {  	v17 =	vperm.xlane v4, v1;
	v11 =	vld [tilespmem:s16+$0xFFFFFFF0];
	v10 =	vadd.f32 v10, v12;
	v12 =	vadd.f32 v15, v13  }
0x14f: {  	v7 =	vadd.f32 v7, v18;
	v18 =	vld [tilespmem:s16+$0xFFFFFFC0];
	v13 =	vadd.f32 v14, v16  }
0x150: {  	v4 =	vadd.f32 v4, v17;
	v17 =	vshll.u32 v21, $0x10;
	v24 =	vshll.u32 v19, $0x10;
	v14 =	vld [tilespmem:s17+$0xFFFFFFF0]  }
0x151: {  	v16 =	vshll.u32 v9, $0x10;
	v8 =	vadd.f32 v10, v8;
	v10 =	vadd.f32 v13, v12  }
0x152: {  	s19 =	simm.s32 $0x3F00;
	v15 =	vperm.xlane v7, v3;
	v13 =	vshll.u32 v23, $0x10;
	v26 =	vshll.u32 v20, $0x10  }
0x153: {  	s18 =	simm.s32 $0x2B00;
	v25 =	vld [tilespmem:s19+$0x0];
	v17 =	vmul.f32 v13, v17;
	v19 =	vmul.f32 v20, v19;
	v8 =	vadd.f32 v10, v8  }
0x154: {  	v22 =	vld [tilespmem:s18+$0x0];
	v10 =	vshll.u32 v11, $0x10;
	v24 =	vmul.f32 v26, v24;
	v13 =	vadd.f32 v7, v15  }
0x155: {  	v26 =	vld [tilespmem:s19+$0x10];
	v12 =	vshll.u32 v18, $0x10;
	v9 =	vmul.f32 v9, v18;
	v11 =	vmul.f32 v14, v11  }
0x156: {  	v15 =	vld [tilespmem:s19+$0x20];
	v27 =	vshll.u32 v14, $0x10;
	v12 =	vmul.f32 v16, v12;
	v28 =	vperm.xlane v8, v0  }
0x157: {  	v18 =	vld [tilespmem:s18+$0x20];
	v7 =	vmul.f32 v27, v10;
	v10 =	vmul.f32 v23, v21;
	v14 =	vadd.f32 v24, v19  }
0x158: {  	v16 =	vld [tilespmem:s18+$0x10];
	v21 =	vperm.xlane v6, v0;
	v8 =	vadd.f32 v8, v28;
	v9 =	vadd.f32 v12, v9  }
0x159: {  	v10 =	vadd.f32 v17, v10;
	v7 =	vadd.f32 v7, v11  }
0x15a: {  	v20 =	vld [tilespmem:s18+$0x30];
	v6 =	vadd.f32 v6, v21;
	v11 =	vperm.xlane v4, v2;
	v17 =	vperm.xlane v8, v1  }
0x15b: {  	v12 =	vld [tilespmem:s19+$0x30];
	v9 =	vadd.f32 v10, v9;
	v10 =	vmul.f32 v25, v22;
	v7 =	vadd.f32 v7, v14  }
0x15c: {  	v21 =	vmul.f32 v15, v18;
	v22 =	vshll.u32 v22, $0x10;
	v25 =	vshll.u32 v25, $0x10  }
0x15d: {  	v59 =	vld [tilespmem:s18+$0xFFFFFFE0];
	v18 =	vshll.u32 v18, $0x10;
	v15 =	vshll.u32 v15, $0x10;
	v14 =	vmul.f32 v26, v16  }
0x15e: {  	v27 =	vld [tilespmem:s19+$0xFFFFFFD0];
	v16 =	vshll.u32 v16, $0x10;
	v26 =	vshll.u32 v26, $0x10;
	v22 =	vmul.f32 v25, v22  }
0x15f: {  	v19 =	vld [tilespmem:s19+$0xFFFFFFC0];
	v15 =	vmul.f32 v15, v18;
	v8 =	vadd.f32 v8, v17;
	v17 =	vperm.xlane v6, v1  }
0x160: {  	v23 =	vld [tilespmem:s18+$0xFFFFFFD0];
	v4 =	vadd.f32 v4, v11;
	v16 =	vmul.f32 v26, v16;
	v11 =	vmul.f32 v12, v20  }
0x161: {  	v25 =	vld [tilespmem:s19+$0xFFFFFFE0];
	v20 =	vshll.u32 v20, $0x10;
	v12 =	vshll.u32 v12, $0x10;
	v24 =	vperm.xlane v8, v2  }
0x162: {  	v18 =	vld [tilespmem:s19+$0xFFFFFFF0];
	v7 =	vadd.f32 v7, v9;
	v10 =	vadd.f32 v22, v10;
	v12 =	vmul.f32 v12, v20  }
0x163: {  	v15 =	vadd.f32 v15, v21;
	v21 =	vshll.u32 v27, $0x10;
	v8 =	vadd.f32 v8, v24;
	v24 =	vld [tilespmem:s18+$0xFFFFFFC0]  }
0x164: {  	v9 =	vld [tilespmem:s18+$0xFFFFFFF0];
	v22 =	vshll.u32 v59, $0x10;
	v14 =	vadd.f32 v16, v14;
	v11 =	vadd.f32 v12, v11  }
0x165: {  	s13 =	simm.s32 $0x3F80;
	v20 =	vshll.u32 v19, $0x10;
	v16 =	vshll.u32 v23, $0x10;
	v6 =	vadd.f32 v6, v17  }
0x166: {  	v17 =	vld [tilespmem:s13+$0x10];
	v10 =	vadd.f32 v14, v10;
	v14 =	vshll.u32 v25, $0x10;
	v11 =	vadd.f32 v11, v15  }
0x167: {  	s20 =	simm.s32 $0x2B80;
	v16 =	vmul.f32 v21, v16;
	v21 =	vshll.u32 v18, $0x10;
	v14 =	vmul.f32 v14, v22;
	v15 =	vld [tilespmem:s13+$0x0]  }
0x168: {  	v22 =	vld [tilespmem:s20+$0x10];
	v26 =	vperm.xlane v8, v3;
	v10 =	vadd.f32 v11, v10;
	v12 =	vshll.u32 v24, $0x10  }
0x169: {  	v11 =	vmul.f32 v19, v24;
	v12 =	vmul.f32 v20, v12;
	v20 =	vshll.u32 v9, $0x10  }
0x16a: {  	v9 =	vmul.f32 v18, v9;
	v19 =	vmul.f32 v21, v20  }
0x16b: {  	v21 =	vadd.f32 v8, v26;
	v8 =	vmul.f32 v27, v23;
	v23 =	vperm.xlane v10, v0  }
0x16c: {  	v29 =	vld [tilespmem:s20+$0x0];
	v30 =	vshll.u32 v15, $0x10;
	v11 =	vadd.f32 v12, v11;
	v12 =	vmul.f32 v25, v59  }
0x16d: {  	v24 =	vld [tilespmem:s13+$0x20];
	v25 =	vmul.f32 v17, v22;
	v22 =	vshll.u32 v22, $0x10;
	v10 =	vadd.f32 v10, v23  }
0x16e: {  	v20 =	vld [tilespmem:s20+$0x20];
	v17 =	vshll.u32 v17, $0x10;
	v8 =	vadd.f32 v16, v8;
	v16 =	vperm.xlane v7, v0  }
0x16f: {  	v18 =	vld [tilespmem:s20+$0x30];
	v9 =	vadd.f32 v19, v9;
	v22 =	vmul.f32 v17, v22;
	v19 =	vperm.xlane v10, v1  }
0x170: {  	s17 =	simm.s32 $0x5150;
	v23 =	vld [tilespmem:s13+$0x30];
	v12 =	vadd.f32 v14, v12;
	v14 =	vperm.xlane v6, v2;
	v11 =	vadd.f32 v8, v11  }
0x171: {  	[tilespmem:s17+$0x0] =	vst v5;
	v5 =	vld [tilespmem:s13+$0xFFFFFFE0];
	v7 =	vadd.f32 v7, v16;
	v16 =	vmul.f32 v15, v29;
	v19 =	vadd.f32 v10, v19  }
0x172: {  	v29 =	vshll.u32 v29, $0x10;
	v15 =	vld [tilespmem:s20+$0xFFFFFFC0];
	v9 =	vadd.f32 v9, v12;
	v6 =	vadd.f32 v6, v14  }
0x173: {  	v26 =	vmul.f32 v24, v20;
	v14 =	vld [tilespmem:s20+$0xFFFFFFE0];
	v20 =	vshll.u32 v20, $0x10;
	v60 =	vperm.xlane v19, v2  }
0x174: {  	v61 =	vmul.f32 v30, v29;
	v24 =	vshll.u32 v24, $0x10;
	v12 =	vperm.xlane v7, v1;
	v10 =	vld [tilespmem:s13+$0xFFFFFFC0]  }
0x175: {  	v9 =	vadd.f32 v9, v11;
	v11 =	vld [tilespmem:s20+$0xFFFFFFD0];
	v27 =	vmul.f32 v23, v18;
	v19 =	vadd.f32 v19, v60  }
0x176: {  	s16 =	simm.s32 $0x5170;
	v17 =	vadd.f32 v61, v16;
	v16 =	vmul.f32 v24, v20;
	v7 =	vadd.f32 v7, v12;
	v12 =	vld [tilespmem:s13+$0xFFFFFFD0]  }
0x177: {  	[tilespmem:s16+$0x0] =	vst v13;
	v13 =	vld [tilespmem:s20+$0xFFFFFFF0];
	v18 =	vshll.u32 v18, $0x10;
	v23 =	vshll.u32 v23, $0x10;
	v62 =	vperm.xlane v19, v3  }
0x178: {  	v24 =	vmul.f32 v23, v18;
	v23 =	vadd.f32 v16, v26;
	v16 =	vld [tilespmem:s13+$0xFFFFFFF0]  }
0x179: {  	s18 =	simm.s32 $0x5190;
	v8 =	vperm.xlane v4, v3;
	v20 =	vadd.f32 v22, v25;
	v63 =	vadd.f32 v19, v62  }
0x17a: {  	s8 =	simm.s32 $0x51B0;
	[tilespmem:s18+$0x0] =	vst v21;
	v25 =	vshll.u32 v15, $0x10;
	v24 =	vadd.f32 v24, v27;
	v21 =	vshll.u32 v14, $0x10  }
0x17b: {  	s9 =	simm.s32 $0x8;
	s19 =	simm.s32 $0x2C00;
	v18 =	vshll.u32 v10, $0x10;
	v22 =	vshll.u32 v12, $0x10;
	v19 =	vshll.u32 v11, $0x10;
	[tilespmem:s8+$0x0] =	vst v63  }
.LBB2_7:
0x17c: {  	v26 =	vld [tilespmem:s19+$0x0];
	v27 =	vshll.u32 v5, $0x10;
	v17 =	vadd.f32 v20, v17;
	v20 =	vadd.f32 v24, v23;
	s13 =	sadd.s32 $0x80, s13  }
0x17d: {  	v18 =	vmul.f32 v18, v25;
	v24 =	vshll.u32 v13, $0x10;
	v25 =	vshll.u32 v16, $0x10;
	v23 =	vld [tilespmem:s13+$0x0]  }
0x17e: {  	v19 =	vmul.f32 v22, v19;
	v21 =	vmul.f32 v27, v21;
	v28 =	vld [tilespmem:s19+$0x10];
	v17 =	vadd.f32 v20, v17  }
0x17f: {  	v10 =	vmul.f32 v10, v15;
	v8 =	vadd.f32 v4, v8;
	v4 =	vmovc v6;
	v15 =	vmul.f32 v25, v24;
	v20 =	vld [tilespmem:s13+$0x10]  }
0x180: {  	v6 =	vmul.f32 v12, v11;
	v22 =	vld [tilespmem:s19+$0x20];
	v11 =	vperm.xlane v17, v0  }
0x181: {  	v5 =	vmul.f32 v5, v14;
	v12 =	vadd.f32 v18, v10;
	v10 =	vmul.f32 v16, v13;
	v24 =	vld [tilespmem:s13+$0x20];
	[tilespmem:s17+$0xFFFFFFF0] =	vst v8;
	s17 =	smov.u32 s16;
	s16 =	smov.u32 s18;
	s18 =	smov.u32 s8  }
0x182: {  	v6 =	vadd.f32 v19, v6;
	v8 =	vperm.xlane v9, v0;
	v18 =	vld [tilespmem:s19+$0x30];
	v13 =	vadd.f32 v17, v11  }
0x183: {  	v5 =	vadd.f32 v21, v5;
	v14 =	vadd.f32 v15, v10;
	v15 =	vperm.xlane v7, v2;
	v17 =	vld [tilespmem:s13+$0x30]  }
0x184: {  	v16 =	vadd.f32 v6, v12;
	v21 =	vadd.f32 v9, v8;
	v10 =	vld [tilespmem:s13+$0xFFFFFFC0];
	v19 =	vperm.xlane v13, v1  }
0x185: {  	v5 =	vadd.f32 v14, v5;
	v6 =	vadd.f32 v7, v15;
	v8 =	vperm.xlane v4, v3;
	v11 =	vld [tilespmem:s19+$0xFFFFFFD0]  }
0x186: {  	v25 =	vmul.f32 v23, v26;
	v7 =	vperm.xlane v21, v1;
	v12 =	vld [tilespmem:s13+$0xFFFFFFD0];
	v15 =	vadd.f32 v13, v19  }
0x187: {  	s9 =	sadd.s32 $0x2, s9;
	v9 =	vadd.f32 v5, v16;
	v19 =	vmul.f32 v20, v28;
	v27 =	vmul.f32 v24, v22;
	v14 =	vld [tilespmem:s19+$0xFFFFFFE0]  }
0x188: {  	p0 =	slt.u32 s9, $0x4E;
	v7 =	vadd.f32 v21, v7;
	v5 =	vld [tilespmem:s13+$0xFFFFFFE0];
	v29 =	vmul.f32 v17, v18;
	v30 =	vperm.xlane v15, v2  }
0x189: {  	v23 =	vshll.u32 v23, $0x10;
	v21 =	vshll.u32 v26, $0x10;
	v26 =	vshll.u32 v28, $0x10;
	v13 =	vld [tilespmem:s19+$0xFFFFFFF0]  }
0x18a: {  	v20 =	vshll.u32 v20, $0x10;
	v22 =	vshll.u32 v22, $0x10;
	v16 =	vld [tilespmem:s13+$0xFFFFFFF0];
	v28 =	vadd.f32 v15, v30  }
0x18b: {  	v21 =	vmul.f32 v23, v21;
	v23 =	vshll.u32 v24, $0x10;
	v18 =	vshll.u32 v18, $0x10;
	v15 =	vld [tilespmem:s19+$0xFFFFFFC0]  }
.Ltmp3:
0x18c: {  	v20 =	vmul.f32 v20, v26;
	v24 =	vshll.u32 v17, $0x10;
	v26 =	vperm.xlane v28, v3;
	(pc) =	sbr.rel @p0 .LBB2_7-.Ltmp3, $4  }
0x18d: {  	v17 =	vadd.f32 v21, v25;
	v21 =	vmul.f32 v23, v22;
	v22 =	vmul.f32 v24, v18  }
0x18e: {  	v18 =	vshll.u32 v10, $0x10;
	v20 =	vadd.f32 v20, v19;
	v26 =	vadd.f32 v28, v26  }
0x18f: {  	s8 =	sadd.s32 $0x20, s8;
	v19 =	vshll.u32 v11, $0x10;
	v23 =	vadd.f32 v21, v27;
	v24 =	vadd.f32 v22, v29  }
0x190: {  	s19 =	sadd.s32 $0x80, s19;
	v22 =	vshll.u32 v12, $0x10;
	v21 =	vshll.u32 v14, $0x10;
	v25 =	vshll.u32 v15, $0x10;
	[tilespmem:s8+$0x0] =	vst v26  }
0x191: {  	v26 =	vshll.u32 v5, $0x10;
	v18 =	vmul.f32 v18, v25;
	v19 =	vmul.f32 v22, v19  }
0x192: {  	v47 =	vshll.u32 v13, $0x10;
	v10 =	vmul.f32 v10, v15;
	v11 =	vmul.f32 v12, v11  }
0x193: {  	v48 =	vshll.u32 v16, $0x10;
	v5 =	vmul.f32 v5, v14;
	v51 =	vmul.f32 v16, v13  }
0x194: {  	v21 =	vmul.f32 v26, v21;
	v49 =	vmul.f32 v48, v47  }
0x195: {  	v10 =	vadd.f32 v18, v10;
	v11 =	vadd.f32 v19, v11  }
0x196: {  	v5 =	vadd.f32 v21, v5;
	v13 =	vadd.f32 v49, v51  }
0x197: {  	v17 =	vadd.f32 v20, v17;
	v46 =	vadd.f32 v24, v23  }
0x198: {  	v10 =	vadd.f32 v11, v10;
	v5 =	vadd.f32 v13, v5  }
0x199: {  	v50 =	vadd.f32 v46, v17  }
0x19a: {  	v54 =	vperm.xlane v9, v0;
	v5 =	vadd.f32 v5, v10  }
0x19b: {  	v52 =	vperm.xlane v50, v0  }
0x19c: {  	v9 =	vadd.f32 v9, v54;
	v55 =	vperm.xlane v5, v0  }
0x19d: {  	v53 =	vadd.f32 v50, v52  }
0x19e: {  	v57 =	vperm.xlane v9, v1;
	v5 =	vadd.f32 v5, v55  }
0x19f: {  	v12 =	vperm.xlane v53, v1  }
0x1a0: {  	v9 =	vadd.f32 v9, v57;
	v13 =	vperm.xlane v5, v1  }
0x1a1: {  	v58 =	vperm.xlane v7, v2;
	v56 =	vadd.f32 v53, v12  }
0x1a2: {  	v59 =	vperm.xlane v9, v2;
	v5 =	vadd.f32 v5, v13  }
0x1a3: {  	v4 =	vadd.f32 v4, v8;
	v7 =	vadd.f32 v7, v58;
	v12 =	vperm.xlane v56, v2  }
0x1a4: {  	v61 =	vperm.xlane v6, v3;
	v9 =	vadd.f32 v9, v59;
	v13 =	vperm.xlane v5, v2  }
0x1a5: {  	v62 =	vperm.xlane v7, v3;
	v10 =	vadd.f32 v56, v12  }
0x1a6: {  	[tilespmem:s17+$0xFFFFFFF0] =	vst v4;
	v4 =	vadd.f32 v6, v61;
	v6 =	vperm.xlane v9, v3;
	v5 =	vadd.f32 v5, v13  }
0x1a7: {  	v7 =	vadd.f32 v7, v62;
	v60 =	vperm.xlane v10, v3  }
0x1a8: {  	[tilespmem:s16+$0xFFFFFFF0] =	vst v4;
	v4 =	vadd.f32 v9, v6;
	v63 =	vperm.xlane v5, v3  }
0x1a9: {  	p0 =	por $0x1, $0x1;
	[tilespmem:s18+$0xFFFFFFF0] =	vst v7;
	v10 =	vadd.f32 v10, v60  }
.Ltmp4:
0x1aa: {  	s13 =	sadd.s32 $0x20, s8;
	[tilespmem:s8+$0xFFFFFFF0] =	vst v4;
	v5 =	vadd.f32 v5, v63;
	(pc) =	sbr.rel @!p0 .LBB2_10-.Ltmp4, $4  }
0x1ab: {  	[tilespmem:s13+$0x0] =	vst v10  }
0x1ac: {  	s9 =	simm.s32 $0x51C0;
	[tilespmem:s13+$0xFFFFFFF0] =	vst v5  }
0x1ad: {  	v4 =	vld [tilespmem:s9+$0xFFFFFF90]  }
0x1ae: {  	s8 =	simm.s32 $0x0;
	s13 =	simm.s32 $0x40;
	v5 =	vld [tilespmem:s9+$0xFFFFFF80]  }
.LBB2_9:
0x1af: {  	p0 =	sne.s32 s13, $0x100;
	v6 =	vld [tilespmem:s9+$0xFFFFFFA0]  }
0x1b0: {  	v7 =	vld [tilespmem:s9+$0xFFFFFFB0]  }
0x1b1: {  	v8 =	vld [tilespmem:s9+$0xFFFFFFC0]  }
0x1b2: {  	v9 =	vld [tilespmem:s9+$0xFFFFFFD0]  }
0x1b3: {  	v4 =	vsel vm0, v5, v4;
	v5 =	vld [tilespmem:s9+$0xFFFFFFE0]  }
0x1b4: {  	v4 =	vsel vm1, v4, v6;
	v6 =	vld [tilespmem:s9+$0xFFFFFFF0]  }
0x1b5: {  	v4 =	vsel vm2, v4, v7;
	v7 =	vld [tilespmem:s9+$0x0]  }
0x1b6: {  	v4 =	vsel vm3, v4, v8;
	v8 =	vld [tilespmem:s9+$0x10]  }
0x1b7: {  	v4 =	vsel vm4, v4, v9;
	v9 =	vld [tilespmem:s9+$0x20]  }
0x1b8: {  	v4 =	vsel vm5, v4, v5;
	v5 =	vld [tilespmem:s9+$0x30]  }
0x1b9: {  	v4 =	vsel vm6, v4, v6;
	v6 =	vld [tilespmem:s9+$0x40]  }
0x1ba: {  	v4 =	vsel vm7, v4, v7;
	v7 =	vld [tilespmem:s9+$0x50]  }
0x1bb: {  	v4 =	vsel vm8, v4, v8;
	v8 =	vld [tilespmem:s9+$0x60]  }
0x1bc: {  	v4 =	vsel vm9, v4, v9;
	v9 =	vld [tilespmem:s9+$0x70]  }
0x1bd: {  	v4 =	vsel vm10, v4, v5  }
0x1be: {  	v4 =	vsel vm11, v4, v6  }
0x1bf: {  	v4 =	vsel vm12, v4, v7  }
.Ltmp5:
0x1c0: {  	s16 =	sshra.s32 s8, $0x2;
	s8 =	smov.u32 s13;
	v4 =	vsel vm13, v4, v8;
	(pc) =	sbr.rel @p0 .LBB2_9-.Ltmp5, $4  }
0x1c1: {  	s16 =	sadd.s32 s16, s10;
	v4 =	vsel vm14, v4, v9  }
0x1c2: {  	s9 =	sadd.s32 $0x100, s9;
	[tilespmem:s16+$0x0] =	vst v4  }
0x1c3: {  	v4 =	vld [tilespmem:s9+$0xFFFFFF90]  }
0x1c4: {  	s13 =	sadd.s32 $0x40, s13;
	v5 =	vld [tilespmem:s9+$0xFFFFFF80]  }
.LBB2_10:
0x1c5: {  	v6 =	vld [tilespmem:s9+$0xFFFFFFA0]  }
0x1c6: {  	v7 =	vld [tilespmem:s9+$0xFFFFFFB0]  }
0x1c7: {  	v8 =	vld [tilespmem:s9+$0xFFFFFFC0]  }
0x1c8: {  	v9 =	vld [tilespmem:s9+$0xFFFFFFD0]  }
0x1c9: {  	v4 =	vsel vm0, v5, v4;
	v5 =	vld [tilespmem:s9+$0xFFFFFFE0]  }
0x1ca: {  	v56 =	vld [tilespmem:s9+$0xFFFFFFF0];
	v4 =	vsel vm1, v4, v6  }
0x1cb: {  	v57 =	vld [tilespmem:s9+$0x0];
	v4 =	vsel vm2, v4, v7  }
0x1cc: {  	v58 =	vld [tilespmem:s9+$0x10];
	v4 =	vsel vm3, v4, v8  }
0x1cd: {  	v59 =	vld [tilespmem:s9+$0x20];
	v4 =	vsel vm4, v4, v9  }
0x1ce: {  	v4 =	vsel vm5, v4, v5;
	v5 =	vld [tilespmem:s9+$0x30]  }
0x1cf: {  	v60 =	vld [tilespmem:s9+$0x40];
	v4 =	vsel vm6, v4, v56  }
0x1d0: {  	v61 =	vld [tilespmem:s9+$0x50];
	v4 =	vsel vm7, v4, v57  }
0x1d1: {  	v62 =	vld [tilespmem:s9+$0x60];
	v4 =	vsel vm8, v4, v58  }
0x1d2: {  	v63 =	vld [tilespmem:s9+$0x70];
	s12 =	sadd.s32 $0x1, s12;
	v4 =	vsel vm9, v4, v59  }
0x1d3: {  	p0 =	sne.s32 s12, $0x3E;
	v4 =	vsel vm10, v4, v5  }
.Ltmp6:
0x1d4: {  	v4 =	vsel vm11, v4, v60;
	(pc) =	sbr.rel @p0 .LBB2_2-.Ltmp6, $4  }
0x1d5: {  	v4 =	vsel vm12, v4, v61  }
0x1d6: {  	s8 =	sshra.s32 s8, $0x2;
	v4 =	vsel vm13, v4, v62  }
0x1d7: {  	s8 =	sadd.s32 s8, s10;
	v4 =	vsel vm14, v4, v63  }
0x1d8: {  	s11 =	sadd.s32 $0xA0, s11;
	s10 =	sadd.s32 $0xA0, s10;
	[tilespmem:s8+$0x0] =	vst v4  }
0x1d9: {  	_ =	swait.ge [sflag:s30], $0x1400  }
0x1da: {  	[sflag:s30] =	ssyncset.done $0x0  }
0x1db: {  	[sflag:s30] =	ssyncadd.s32 $0xFFFFEC00  }
0x1dc: {  	_ =	swait.ge [sflag:s31], $0x1400  }
0x1dd: {  	[sflag:s31] =	ssyncset.done $0x0  }
0x1de: {  	s8 =	simm.s32 $0x180;
	[sflag:s31] =	ssyncadd.s32 $0xFFFFEC00  }
0x1df: {  	s9 =	simm.s32 $0x1580;
	v4 =	vld [tilespmem:s8+$0x0]  }
0x1e0: {  	v5 =	vld [tilespmem:s9+$0x0]  }
0x1e1: {  	v6 =	vld [tilespmem:s8+$0x10]  }
0x1e2: {  	v7 =	vld [tilespmem:s9+$0x10]  }
0x1e3: {  	v8 =	vld [tilespmem:s8+$0x20]  }
0x1e4: {  	v9 =	vld [tilespmem:s9+$0x20]  }
0x1e5: {  	v10 =	vld [tilespmem:s8+$0x30]  }
0x1e6: {  	v11 =	vld [tilespmem:s9+$0x30];
	_ =	sdelay $0x3  }
0x1e7: {  	v12 =	vmul.f32 v5, v4;
	v13 =	vmul.f32 v7, v6  }
0x1e8: {  	v14 =	vld [tilespmem:s9+$0xFFFFFFC0];
	v15 =	vmul.f32 v9, v8;
	v16 =	vmul.f32 v11, v10;
	v4 =	vshll.u32 v4, $0x10  }
0x1e9: {  	v17 =	vld [tilespmem:s8+$0xFFFFFFD0];
	v5 =	vshll.u32 v5, $0x10;
	v6 =	vshll.u32 v6, $0x10;
	v7 =	vshll.u32 v7, $0x10  }
0x1ea: {  	v18 =	vld [tilespmem:s9+$0xFFFFFFD0];
	v8 =	vshll.u32 v8, $0x10;
	v10 =	vshll.u32 v10, $0x10;
	v4 =	vmul.f32 v5, v4  }
0x1eb: {  	v5 =	vshll.u32 v9, $0x10;
	v9 =	vld [tilespmem:s8+$0xFFFFFFE0];
	v6 =	vmul.f32 v7, v6;
	v7 =	vshll.u32 v11, $0x10  }
0x1ec: {  	v11 =	vld [tilespmem:s9+$0xFFFFFFE0];
	v5 =	vmul.f32 v5, v8;
	v7 =	vmul.f32 v7, v10  }
0x1ed: {  	v8 =	vld [tilespmem:s8+$0xFFFFFFC0];
	v4 =	vadd.f32 v4, v12;
	v6 =	vadd.f32 v6, v13  }
0x1ee: {  	v10 =	vld [tilespmem:s8+$0xFFFFFFF0];
	v5 =	vadd.f32 v5, v15;
	v7 =	vadd.f32 v7, v16  }
0x1ef: {  	s12 =	simm.s32 $0x200;
	v12 =	vld [tilespmem:s9+$0xFFFFFFF0];
	v15 =	vshll.u32 v17, $0x10;
	v17 =	vmul.f32 v18, v17  }
0x1f0: {  	v23 =	vld [tilespmem:s12+$0x20];
	v4 =	vadd.f32 v6, v4;
	v6 =	vshll.u32 v14, $0x10;
	v5 =	vadd.f32 v7, v5  }
0x1f1: {  	s13 =	simm.s32 $0x1600;
	v13 =	vld [tilespmem:s12+$0x0];
	v20 =	vshll.u32 v9, $0x10;
	v21 =	vshll.u32 v11, $0x10;
	v9 =	vmul.f32 v11, v9  }
0x1f2: {  	v7 =	vld [tilespmem:s13+$0x0];
	v16 =	vshll.u32 v8, $0x10;
	v8 =	vmul.f32 v14, v8;
	v4 =	vadd.f32 v5, v4  }
0x1f3: {  	v11 =	vld [tilespmem:s13+$0x30];
	v5 =	vshll.u32 v18, $0x10;
	v6 =	vmul.f32 v6, v16;
	v16 =	vshll.u32 v10, $0x10  }
0x1f4: {  	v25 =	vshll.u32 v12, $0x10;
	v5 =	vmul.f32 v5, v15;
	v15 =	vmul.f32 v21, v20;
	v20 =	vld [tilespmem:s13+$0x20]  }
0x1f5: {  	v14 =	vmul.f32 v25, v16;
	v16 =	vld [tilespmem:s12+$0x30];
	v24 =	vperm.xlane v4, v0  }
0x1f6: {  	v19 =	vld [tilespmem:s12+$0x10];
	v6 =	vadd.f32 v6, v8;
	v5 =	vadd.f32 v5, v17  }
0x1f7: {  	v22 =	vld [tilespmem:s13+$0x10];
	v8 =	vmul.f32 v12, v10;
	v9 =	vadd.f32 v15, v9;
	v4 =	vadd.f32 v4, v24  }
0x1f8: {  	v12 =	vld [tilespmem:s13+$0xFFFFFFC0];
	v15 =	vmul.f32 v7, v13;
	v13 =	vshll.u32 v13, $0x10;
	v7 =	vshll.u32 v7, $0x10  }
0x1f9: {  	v25 =	vld [tilespmem:s13+$0xFFFFFFE0];
	v8 =	vadd.f32 v14, v8;
	v7 =	vmul.f32 v7, v13;
	v10 =	vperm.xlane v4, v1  }
0x1fa: {  	v26 =	vld [tilespmem:s12+$0xFFFFFFC0];
	v5 =	vadd.f32 v5, v6;
	v17 =	vmul.f32 v20, v23;
	v21 =	vmul.f32 v11, v16  }
0x1fb: {  	v14 =	vld [tilespmem:s12+$0xFFFFFFD0];
	v23 =	vshll.u32 v23, $0x10;
	v13 =	vshll.u32 v20, $0x10;
	v16 =	vshll.u32 v16, $0x10  }
0x1fc: {  	v11 =	vshll.u32 v11, $0x10;
	v8 =	vadd.f32 v8, v9;
	v7 =	vadd.f32 v7, v15  }
0x1fd: {  	v6 =	vld [tilespmem:s13+$0xFFFFFFD0];
	v13 =	vmul.f32 v13, v23;
	v11 =	vmul.f32 v11, v16;
	v15 =	vshll.u32 v12, $0x10  }
0x1fe: {  	v18 =	vld [tilespmem:s12+$0xFFFFFFE0];
	v23 =	vshll.u32 v25, $0x10;
	v4 =	vadd.f32 v4, v10;
	v10 =	vmul.f32 v22, v19  }
0x1ff: {  	v20 =	vld [tilespmem:s12+$0xFFFFFFF0];
	v19 =	vshll.u32 v19, $0x10;
	v22 =	vshll.u32 v22, $0x10;
	v8 =	vadd.f32 v8, v5  }
0x200: {  	v9 =	vld [tilespmem:s13+$0xFFFFFFF0];
	v5 =	vmul.f32 v12, v26;
	v19 =	vmul.f32 v22, v19;
	v16 =	vshll.u32 v14, $0x10  }
0x201: {  	v13 =	vadd.f32 v13, v17;
	v11 =	vadd.f32 v11, v21;
	v17 =	vshll.u32 v26, $0x10  }
0x202: {  	v24 =	vperm.xlane v4, v2;
	v10 =	vadd.f32 v19, v10;
	v19 =	vshll.u32 v6, $0x10  }
0x203: {  	s16 =	simm.s32 $0x280;
	v21 =	vshll.u32 v18, $0x10;
	v6 =	vmul.f32 v6, v14;
	v16 =	vmul.f32 v19, v16  }
0x204: {  	s17 =	simm.s32 $0x1680;
	v22 =	vld [tilespmem:s16+$0x0];
	v19 =	vmul.f32 v23, v21;
	v7 =	vadd.f32 v10, v7;
	v10 =	vadd.f32 v11, v13  }
0x205: {  	v11 =	vld [tilespmem:s17+$0x0];
	v13 =	vmul.f32 v15, v17;
	v15 =	vshll.u32 v20, $0x10;
	v17 =	vshll.u32 v9, $0x10  }
0x206: {  	v4 =	vadd.f32 v4, v24;
	v9 =	vmul.f32 v9, v20;
	v12 =	vmul.f32 v17, v15;
	v15 =	vld [tilespmem:s16+$0x20]  }
0x207: {  	v17 =	vld [tilespmem:s17+$0x20];
	v7 =	vadd.f32 v10, v7;
	v13 =	vadd.f32 v13, v5;
	v5 =	vmul.f32 v25, v18  }
0x208: {  	v27 =	vld [tilespmem:s16+$0x10];
	v6 =	vadd.f32 v16, v6;
	v18 =	vperm.xlane v4, v3  }
0x209: {  	v20 =	vld [tilespmem:s16+$0x30];
	v9 =	vadd.f32 v12, v9;
	v14 =	vperm.xlane v7, v0;
	v16 =	vadd.f32 v19, v5  }
0x20a: {  	v10 =	vld [tilespmem:s17+$0x10];
	v5 =	vadd.f32 v4, v18;
	v4 =	vperm.xlane v8, v0;
	v6 =	vadd.f32 v6, v13  }
0x20b: {  	v19 =	vshll.u32 v22, $0x10;
	v7 =	vadd.f32 v7, v14;
	v14 =	vld [tilespmem:s17+$0x30];
	v9 =	vadd.f32 v9, v16  }
0x20c: {  	v4 =	vadd.f32 v8, v4;
	v8 =	vmul.f32 v11, v22;
	v13 =	vmul.f32 v17, v15  }
0x20d: {  	v11 =	vshll.u32 v11, $0x10;
	v22 =	vshll.u32 v27, $0x10;
	v12 =	vperm.xlane v7, v1  }
0x20e: {  	v21 =	vld [tilespmem:s16+$0xFFFFFFD0];
	v15 =	vshll.u32 v15, $0x10;
	v17 =	vshll.u32 v17, $0x10;
	v11 =	vmul.f32 v11, v19  }
0x20f: {  	v23 =	vld [tilespmem:s17+$0xFFFFFFD0];
	v15 =	vmul.f32 v17, v15;
	v6 =	vadd.f32 v9, v6;
	v7 =	vadd.f32 v7, v12  }
0x210: {  	v19 =	vld [tilespmem:s16+$0xFFFFFFE0];
	v12 =	vmul.f32 v10, v27;
	v10 =	vshll.u32 v10, $0x10;
	v16 =	vmul.f32 v14, v20  }
0x211: {  	v9 =	vld [tilespmem:s17+$0xFFFFFFC0];
	v20 =	vshll.u32 v20, $0x10;
	v10 =	vmul.f32 v10, v22;
	v14 =	vshll.u32 v14, $0x10  }
0x212: {  	v8 =	vadd.f32 v11, v8;
	v18 =	vperm.xlane v7, v2;
	v14 =	vmul.f32 v14, v20;
	v20 =	vld [tilespmem:s17+$0xFFFFFFE0]  }
0x213: {  	v17 =	vperm.xlane v4, v1;
	v11 =	vld [tilespmem:s16+$0xFFFFFFF0];
	v10 =	vadd.f32 v10, v12;
	v12 =	vadd.f32 v15, v13  }
0x214: {  	v7 =	vadd.f32 v7, v18;
	v18 =	vld [tilespmem:s16+$0xFFFFFFC0];
	v13 =	vadd.f32 v14, v16  }
0x215: {  	v4 =	vadd.f32 v4, v17;
	v17 =	vshll.u32 v21, $0x10;
	v24 =	vshll.u32 v19, $0x10;
	v14 =	vld [tilespmem:s17+$0xFFFFFFF0]  }
0x216: {  	v16 =	vshll.u32 v9, $0x10;
	v8 =	vadd.f32 v10, v8;
	v10 =	vadd.f32 v13, v12  }
0x217: {  	s19 =	simm.s32 $0x1700;
	v15 =	vperm.xlane v7, v3;
	v13 =	vshll.u32 v23, $0x10;
	v26 =	vshll.u32 v20, $0x10  }
0x218: {  	s18 =	simm.s32 $0x300;
	v25 =	vld [tilespmem:s19+$0x0];
	v17 =	vmul.f32 v13, v17;
	v19 =	vmul.f32 v20, v19;
	v8 =	vadd.f32 v10, v8  }
0x219: {  	v22 =	vld [tilespmem:s18+$0x0];
	v10 =	vshll.u32 v11, $0x10;
	v24 =	vmul.f32 v26, v24;
	v13 =	vadd.f32 v7, v15  }
0x21a: {  	v26 =	vld [tilespmem:s19+$0x10];
	v12 =	vshll.u32 v18, $0x10;
	v9 =	vmul.f32 v9, v18;
	v11 =	vmul.f32 v14, v11  }
0x21b: {  	v15 =	vld [tilespmem:s19+$0x20];
	v27 =	vshll.u32 v14, $0x10;
	v12 =	vmul.f32 v16, v12;
	v28 =	vperm.xlane v8, v0  }
0x21c: {  	v18 =	vld [tilespmem:s18+$0x20];
	v7 =	vmul.f32 v27, v10;
	v10 =	vmul.f32 v23, v21;
	v14 =	vadd.f32 v24, v19  }
0x21d: {  	v16 =	vld [tilespmem:s18+$0x10];
	v21 =	vperm.xlane v6, v0;
	v8 =	vadd.f32 v8, v28;
	v9 =	vadd.f32 v12, v9  }
0x21e: {  	v10 =	vadd.f32 v17, v10;
	v7 =	vadd.f32 v7, v11  }
0x21f: {  	v20 =	vld [tilespmem:s18+$0x30];
	v6 =	vadd.f32 v6, v21;
	v11 =	vperm.xlane v4, v2;
	v17 =	vperm.xlane v8, v1  }
0x220: {  	v12 =	vld [tilespmem:s19+$0x30];
	v9 =	vadd.f32 v10, v9;
	v10 =	vmul.f32 v25, v22;
	v7 =	vadd.f32 v7, v14  }
0x221: {  	v21 =	vmul.f32 v15, v18;
	v22 =	vshll.u32 v22, $0x10;
	v25 =	vshll.u32 v25, $0x10  }
0x222: {  	v59 =	vld [tilespmem:s18+$0xFFFFFFE0];
	v18 =	vshll.u32 v18, $0x10;
	v15 =	vshll.u32 v15, $0x10;
	v14 =	vmul.f32 v26, v16  }
0x223: {  	v27 =	vld [tilespmem:s19+$0xFFFFFFD0];
	v16 =	vshll.u32 v16, $0x10;
	v26 =	vshll.u32 v26, $0x10;
	v22 =	vmul.f32 v25, v22  }
0x224: {  	v19 =	vld [tilespmem:s19+$0xFFFFFFC0];
	v15 =	vmul.f32 v15, v18;
	v8 =	vadd.f32 v8, v17;
	v17 =	vperm.xlane v6, v1  }
0x225: {  	v23 =	vld [tilespmem:s18+$0xFFFFFFD0];
	v4 =	vadd.f32 v4, v11;
	v16 =	vmul.f32 v26, v16;
	v11 =	vmul.f32 v12, v20  }
0x226: {  	v25 =	vld [tilespmem:s19+$0xFFFFFFE0];
	v20 =	vshll.u32 v20, $0x10;
	v12 =	vshll.u32 v12, $0x10;
	v24 =	vperm.xlane v8, v2  }
0x227: {  	v18 =	vld [tilespmem:s19+$0xFFFFFFF0];
	v7 =	vadd.f32 v7, v9;
	v10 =	vadd.f32 v22, v10;
	v12 =	vmul.f32 v12, v20  }
0x228: {  	v15 =	vadd.f32 v15, v21;
	v21 =	vshll.u32 v27, $0x10;
	v8 =	vadd.f32 v8, v24;
	v24 =	vld [tilespmem:s18+$0xFFFFFFC0]  }
0x229: {  	v9 =	vld [tilespmem:s18+$0xFFFFFFF0];
	v22 =	vshll.u32 v59, $0x10;
	v14 =	vadd.f32 v16, v14;
	v11 =	vadd.f32 v12, v11  }
0x22a: {  	s10 =	simm.s32 $0x1780;
	v20 =	vshll.u32 v19, $0x10;
	v16 =	vshll.u32 v23, $0x10;
	v6 =	vadd.f32 v6, v17  }
0x22b: {  	v17 =	vld [tilespmem:s10+$0x10];
	v10 =	vadd.f32 v14, v10;
	v14 =	vshll.u32 v25, $0x10;
	v11 =	vadd.f32 v11, v15  }
0x22c: {  	s20 =	simm.s32 $0x380;
	v16 =	vmul.f32 v21, v16;
	v21 =	vshll.u32 v18, $0x10;
	v14 =	vmul.f32 v14, v22;
	v15 =	vld [tilespmem:s10+$0x0]  }
0x22d: {  	v22 =	vld [tilespmem:s20+$0x10];
	v26 =	vperm.xlane v8, v3;
	v10 =	vadd.f32 v11, v10;
	v12 =	vshll.u32 v24, $0x10  }
0x22e: {  	v11 =	vmul.f32 v19, v24;
	v12 =	vmul.f32 v20, v12;
	v20 =	vshll.u32 v9, $0x10  }
0x22f: {  	v9 =	vmul.f32 v18, v9;
	v19 =	vmul.f32 v21, v20  }
0x230: {  	v21 =	vadd.f32 v8, v26;
	v8 =	vmul.f32 v27, v23;
	v23 =	vperm.xlane v10, v0  }
0x231: {  	v29 =	vld [tilespmem:s20+$0x0];
	v30 =	vshll.u32 v15, $0x10;
	v11 =	vadd.f32 v12, v11;
	v12 =	vmul.f32 v25, v59  }
0x232: {  	v24 =	vld [tilespmem:s10+$0x20];
	v25 =	vmul.f32 v17, v22;
	v22 =	vshll.u32 v22, $0x10;
	v10 =	vadd.f32 v10, v23  }
0x233: {  	v20 =	vld [tilespmem:s20+$0x20];
	v17 =	vshll.u32 v17, $0x10;
	v8 =	vadd.f32 v16, v8;
	v16 =	vperm.xlane v7, v0  }
0x234: {  	v18 =	vld [tilespmem:s20+$0x30];
	v9 =	vadd.f32 v19, v9;
	v22 =	vmul.f32 v17, v22;
	v19 =	vperm.xlane v10, v1  }
0x235: {  	s12 =	simm.s32 $0x5150;
	v23 =	vld [tilespmem:s10+$0x30];
	v12 =	vadd.f32 v14, v12;
	v14 =	vperm.xlane v6, v2;
	v11 =	vadd.f32 v8, v11  }
0x236: {  	[tilespmem:s12+$0x0] =	vst v5;
	v5 =	vld [tilespmem:s10+$0xFFFFFFE0];
	v7 =	vadd.f32 v7, v16;
	v16 =	vmul.f32 v15, v29;
	v19 =	vadd.f32 v10, v19  }
0x237: {  	v29 =	vshll.u32 v29, $0x10;
	v15 =	vld [tilespmem:s20+$0xFFFFFFC0];
	v9 =	vadd.f32 v9, v12;
	v6 =	vadd.f32 v6, v14  }
0x238: {  	v26 =	vmul.f32 v24, v20;
	v14 =	vld [tilespmem:s20+$0xFFFFFFE0];
	v20 =	vshll.u32 v20, $0x10;
	v60 =	vperm.xlane v19, v2  }
0x239: {  	v61 =	vmul.f32 v30, v29;
	v24 =	vshll.u32 v24, $0x10;
	v12 =	vperm.xlane v7, v1;
	v10 =	vld [tilespmem:s10+$0xFFFFFFC0]  }
0x23a: {  	v9 =	vadd.f32 v9, v11;
	v11 =	vld [tilespmem:s20+$0xFFFFFFD0];
	v27 =	vmul.f32 v23, v18;
	v19 =	vadd.f32 v19, v60  }
0x23b: {  	s11 =	simm.s32 $0x5170;
	v17 =	vadd.f32 v61, v16;
	v16 =	vmul.f32 v24, v20;
	v7 =	vadd.f32 v7, v12;
	v12 =	vld [tilespmem:s10+$0xFFFFFFD0]  }
0x23c: {  	[tilespmem:s11+$0x0] =	vst v13;
	v13 =	vld [tilespmem:s20+$0xFFFFFFF0];
	v18 =	vshll.u32 v18, $0x10;
	v23 =	vshll.u32 v23, $0x10;
	v62 =	vperm.xlane v19, v3  }
0x23d: {  	v24 =	vmul.f32 v23, v18;
	v23 =	vadd.f32 v16, v26;
	v16 =	vld [tilespmem:s10+$0xFFFFFFF0]  }
0x23e: {  	s13 =	simm.s32 $0x5190;
	v8 =	vperm.xlane v4, v3;
	v20 =	vadd.f32 v22, v25;
	v63 =	vadd.f32 v19, v62  }
0x23f: {  	s8 =	simm.s32 $0x51B0;
	[tilespmem:s13+$0x0] =	vst v21;
	v25 =	vshll.u32 v15, $0x10;
	v24 =	vadd.f32 v24, v27;
	v21 =	vshll.u32 v14, $0x10  }
0x240: {  	s9 =	simm.s32 $0x8;
	s16 =	simm.s32 $0x400;
	v18 =	vshll.u32 v10, $0x10;
	v22 =	vshll.u32 v12, $0x10;
	v19 =	vshll.u32 v11, $0x10;
	[tilespmem:s8+$0x0] =	vst v63  }
.LBB2_12:
0x241: {  	v26 =	vld [tilespmem:s16+$0x0];
	v27 =	vshll.u32 v5, $0x10;
	v17 =	vadd.f32 v20, v17;
	v20 =	vadd.f32 v24, v23;
	s10 =	sadd.s32 $0x80, s10  }
0x242: {  	v18 =	vmul.f32 v18, v25;
	v24 =	vshll.u32 v13, $0x10;
	v25 =	vshll.u32 v16, $0x10;
	v23 =	vld [tilespmem:s10+$0x0]  }
0x243: {  	v19 =	vmul.f32 v22, v19;
	v21 =	vmul.f32 v27, v21;
	v28 =	vld [tilespmem:s16+$0x10];
	v17 =	vadd.f32 v20, v17  }
0x244: {  	v10 =	vmul.f32 v10, v15;
	v8 =	vadd.f32 v4, v8;
	v4 =	vmovc v6;
	v15 =	vmul.f32 v25, v24;
	v20 =	vld [tilespmem:s10+$0x10]  }
0x245: {  	v6 =	vmul.f32 v12, v11;
	v22 =	vld [tilespmem:s16+$0x20];
	v11 =	vperm.xlane v17, v0  }
0x246: {  	v5 =	vmul.f32 v5, v14;
	v12 =	vadd.f32 v18, v10;
	v10 =	vmul.f32 v16, v13;
	v24 =	vld [tilespmem:s10+$0x20];
	[tilespmem:s12+$0xFFFFFFF0] =	vst v8;
	s12 =	smov.u32 s11;
	s11 =	smov.u32 s13;
	s13 =	smov.u32 s8  }
0x247: {  	v6 =	vadd.f32 v19, v6;
	v8 =	vperm.xlane v9, v0;
	v18 =	vld [tilespmem:s16+$0x30];
	v13 =	vadd.f32 v17, v11  }
0x248: {  	v5 =	vadd.f32 v21, v5;
	v14 =	vadd.f32 v15, v10;
	v15 =	vperm.xlane v7, v2;
	v17 =	vld [tilespmem:s10+$0x30]  }
0x249: {  	v16 =	vadd.f32 v6, v12;
	v21 =	vadd.f32 v9, v8;
	v10 =	vld [tilespmem:s10+$0xFFFFFFC0];
	v19 =	vperm.xlane v13, v1  }
0x24a: {  	v5 =	vadd.f32 v14, v5;
	v6 =	vadd.f32 v7, v15;
	v8 =	vperm.xlane v4, v3;
	v11 =	vld [tilespmem:s16+$0xFFFFFFD0]  }
0x24b: {  	v25 =	vmul.f32 v23, v26;
	v7 =	vperm.xlane v21, v1;
	v12 =	vld [tilespmem:s10+$0xFFFFFFD0];
	v15 =	vadd.f32 v13, v19  }
0x24c: {  	s9 =	sadd.s32 $0x2, s9;
	v9 =	vadd.f32 v5, v16;
	v19 =	vmul.f32 v20, v28;
	v27 =	vmul.f32 v24, v22;
	v14 =	vld [tilespmem:s16+$0xFFFFFFE0]  }
0x24d: {  	p0 =	slt.u32 s9, $0x4E;
	v7 =	vadd.f32 v21, v7;
	v5 =	vld [tilespmem:s10+$0xFFFFFFE0];
	v29 =	vmul.f32 v17, v18;
	v30 =	vperm.xlane v15, v2  }
0x24e: {  	v23 =	vshll.u32 v23, $0x10;
	v21 =	vshll.u32 v26, $0x10;
	v26 =	vshll.u32 v28, $0x10;
	v13 =	vld [tilespmem:s16+$0xFFFFFFF0]  }
0x24f: {  	v20 =	vshll.u32 v20, $0x10;
	v22 =	vshll.u32 v22, $0x10;
	v16 =	vld [tilespmem:s10+$0xFFFFFFF0];
	v28 =	vadd.f32 v15, v30  }
0x250: {  	v21 =	vmul.f32 v23, v21;
	v23 =	vshll.u32 v24, $0x10;
	v18 =	vshll.u32 v18, $0x10;
	v15 =	vld [tilespmem:s16+$0xFFFFFFC0]  }
.Ltmp7:
0x251: {  	v20 =	vmul.f32 v20, v26;
	v24 =	vshll.u32 v17, $0x10;
	v26 =	vperm.xlane v28, v3;
	(pc) =	sbr.rel @p0 .LBB2_12-.Ltmp7, $4  }
0x252: {  	v17 =	vadd.f32 v21, v25;
	v21 =	vmul.f32 v23, v22;
	v22 =	vmul.f32 v24, v18  }
0x253: {  	v18 =	vshll.u32 v10, $0x10;
	v20 =	vadd.f32 v20, v19;
	v26 =	vadd.f32 v28, v26  }
0x254: {  	s8 =	sadd.s32 $0x20, s8;
	v19 =	vshll.u32 v11, $0x10;
	v23 =	vadd.f32 v21, v27;
	v24 =	vadd.f32 v22, v29  }
0x255: {  	s16 =	sadd.s32 $0x80, s16;
	v22 =	vshll.u32 v12, $0x10;
	v21 =	vshll.u32 v14, $0x10;
	v25 =	vshll.u32 v15, $0x10;
	[tilespmem:s8+$0x0] =	vst v26  }
0x256: {  	v26 =	vshll.u32 v5, $0x10;
	v18 =	vmul.f32 v18, v25;
	v19 =	vmul.f32 v22, v19  }
0x257: {  	v47 =	vshll.u32 v13, $0x10;
	v10 =	vmul.f32 v10, v15;
	v11 =	vmul.f32 v12, v11  }
0x258: {  	v48 =	vshll.u32 v16, $0x10;
	v5 =	vmul.f32 v5, v14;
	v51 =	vmul.f32 v16, v13  }
0x259: {  	v21 =	vmul.f32 v26, v21;
	v49 =	vmul.f32 v48, v47  }
0x25a: {  	v10 =	vadd.f32 v18, v10;
	v11 =	vadd.f32 v19, v11  }
0x25b: {  	v5 =	vadd.f32 v21, v5;
	v13 =	vadd.f32 v49, v51  }
0x25c: {  	v17 =	vadd.f32 v20, v17;
	v46 =	vadd.f32 v24, v23  }
0x25d: {  	v10 =	vadd.f32 v11, v10;
	v5 =	vadd.f32 v13, v5  }
0x25e: {  	v50 =	vadd.f32 v46, v17  }
0x25f: {  	v54 =	vperm.xlane v9, v0;
	v5 =	vadd.f32 v5, v10  }
0x260: {  	v52 =	vperm.xlane v50, v0  }
0x261: {  	v9 =	vadd.f32 v9, v54;
	v55 =	vperm.xlane v5, v0  }
0x262: {  	v53 =	vadd.f32 v50, v52  }
0x263: {  	v57 =	vperm.xlane v9, v1;
	v5 =	vadd.f32 v5, v55  }
0x264: {  	v12 =	vperm.xlane v53, v1  }
0x265: {  	v9 =	vadd.f32 v9, v57;
	v13 =	vperm.xlane v5, v1  }
0x266: {  	v58 =	vperm.xlane v7, v2;
	v56 =	vadd.f32 v53, v12  }
0x267: {  	v59 =	vperm.xlane v9, v2;
	v5 =	vadd.f32 v5, v13  }
0x268: {  	v4 =	vadd.f32 v4, v8;
	v7 =	vadd.f32 v7, v58;
	v12 =	vperm.xlane v56, v2  }
0x269: {  	v61 =	vperm.xlane v6, v3;
	v9 =	vadd.f32 v9, v59;
	v13 =	vperm.xlane v5, v2  }
0x26a: {  	v62 =	vperm.xlane v7, v3;
	v10 =	vadd.f32 v56, v12  }
0x26b: {  	[tilespmem:s12+$0xFFFFFFF0] =	vst v4;
	v4 =	vadd.f32 v6, v61;
	v6 =	vperm.xlane v9, v3;
	v5 =	vadd.f32 v5, v13  }
0x26c: {  	v7 =	vadd.f32 v7, v62;
	v60 =	vperm.xlane v10, v3  }
0x26d: {  	[tilespmem:s11+$0xFFFFFFF0] =	vst v4;
	v4 =	vadd.f32 v9, v6;
	v63 =	vperm.xlane v5, v3  }
0x26e: {  	p0 =	por $0x1, $0x1;
	[tilespmem:s13+$0xFFFFFFF0] =	vst v7;
	v10 =	vadd.f32 v10, v60  }
.Ltmp8:
0x26f: {  	s10 =	sadd.s32 $0x20, s8;
	[tilespmem:s8+$0xFFFFFFF0] =	vst v4;
	v5 =	vadd.f32 v5, v63;
	(pc) =	sbr.rel @!p0 .LBB2_15-.Ltmp8, $4  }
0x270: {  	[tilespmem:s10+$0x0] =	vst v10  }
0x271: {  	s9 =	simm.s32 $0x51C0;
	[tilespmem:s10+$0xFFFFFFF0] =	vst v5  }
0x272: {  	v4 =	vld [tilespmem:s9+$0xFFFFFF90]  }
0x273: {  	s8 =	simm.s32 $0x0;
	s10 =	simm.s32 $0x40;
	v5 =	vld [tilespmem:s9+$0xFFFFFF80]  }
.LBB2_14:
0x274: {  	p0 =	sne.s32 s10, $0x100;
	v6 =	vld [tilespmem:s9+$0xFFFFFFA0]  }
0x275: {  	v7 =	vld [tilespmem:s9+$0xFFFFFFB0]  }
0x276: {  	v8 =	vld [tilespmem:s9+$0xFFFFFFC0]  }
0x277: {  	v9 =	vld [tilespmem:s9+$0xFFFFFFD0]  }
0x278: {  	v4 =	vsel vm0, v5, v4;
	v5 =	vld [tilespmem:s9+$0xFFFFFFE0]  }
0x279: {  	v4 =	vsel vm1, v4, v6;
	v6 =	vld [tilespmem:s9+$0xFFFFFFF0]  }
0x27a: {  	v4 =	vsel vm2, v4, v7;
	v7 =	vld [tilespmem:s9+$0x0]  }
0x27b: {  	v4 =	vsel vm3, v4, v8;
	v8 =	vld [tilespmem:s9+$0x10]  }
0x27c: {  	v4 =	vsel vm4, v4, v9;
	v9 =	vld [tilespmem:s9+$0x20]  }
0x27d: {  	v4 =	vsel vm5, v4, v5;
	v5 =	vld [tilespmem:s9+$0x30]  }
0x27e: {  	v4 =	vsel vm6, v4, v6;
	v6 =	vld [tilespmem:s9+$0x40]  }
0x27f: {  	v4 =	vsel vm7, v4, v7;
	v7 =	vld [tilespmem:s9+$0x50]  }
0x280: {  	v4 =	vsel vm8, v4, v8;
	v8 =	vld [tilespmem:s9+$0x60]  }
0x281: {  	v4 =	vsel vm9, v4, v9;
	v9 =	vld [tilespmem:s9+$0x70]  }
0x282: {  	v4 =	vsel vm10, v4, v5  }
0x283: {  	v4 =	vsel vm11, v4, v6  }
0x284: {  	v4 =	vsel vm12, v4, v7  }
.Ltmp9:
0x285: {  	v4 =	vsel vm13, v4, v8;
	(pc) =	sbr.rel @p0 .LBB2_14-.Ltmp9, $4  }
0x286: {  	s11 =	sshra.s32 s8, $0x2;
	s8 =	smov.u32 s10;
	v4 =	vsel vm14, v4, v9  }
0x287: {  	s9 =	sadd.s32 $0x100, s9;
	[tilespmem:s11+$0x7D00] =	vst v4  }
0x288: {  	v4 =	vld [tilespmem:s9+$0xFFFFFF90]  }
0x289: {  	s10 =	sadd.s32 $0x40, s10;
	v5 =	vld [tilespmem:s9+$0xFFFFFF80]  }
.LBB2_15:
0x28a: {  	v6 =	vld [tilespmem:s9+$0xFFFFFFA0]  }
0x28b: {  	v7 =	vld [tilespmem:s9+$0xFFFFFFB0]  }
0x28c: {  	v8 =	vld [tilespmem:s9+$0xFFFFFFC0]  }
0x28d: {  	v9 =	vld [tilespmem:s9+$0xFFFFFFD0]  }
0x28e: {  	v4 =	vsel vm0, v5, v4;
	v5 =	vld [tilespmem:s9+$0xFFFFFFE0]  }
0x28f: {  	v56 =	vld [tilespmem:s9+$0xFFFFFFF0];
	v4 =	vsel vm1, v4, v6  }
0x290: {  	v57 =	vld [tilespmem:s9+$0x0];
	v4 =	vsel vm2, v4, v7  }
0x291: {  	v58 =	vld [tilespmem:s9+$0x10];
	v4 =	vsel vm3, v4, v8  }
0x292: {  	v59 =	vld [tilespmem:s9+$0x20];
	v4 =	vsel vm4, v4, v9  }
0x293: {  	v4 =	vsel vm5, v4, v5;
	v5 =	vld [tilespmem:s9+$0x30]  }
0x294: {  	v60 =	vld [tilespmem:s9+$0x40];
	v4 =	vsel vm6, v4, v56  }
0x295: {  	v61 =	vld [tilespmem:s9+$0x50];
	v4 =	vsel vm7, v4, v57  }
0x296: {  	v62 =	vld [tilespmem:s9+$0x60];
	v4 =	vsel vm8, v4, v58  }
0x297: {  	v63 =	vld [tilespmem:s9+$0x70];
	v4 =	vsel vm9, v4, v59  }
0x298: {  	v4 =	vsel vm10, v4, v5  }
0x299: {  	v4 =	vsel vm11, v4, v60  }
0x29a: {  	v4 =	vsel vm12, v4, v61  }
0x29b: {  	v4 =	vsel vm13, v4, v62  }
0x29c: {  	s8 =	sshra.s32 s8, $0x2;
	v4 =	vsel vm14, v4, v63  }
0x29d: {  	s17 =	rddreg [dreg:$0xe];
	s18 =	simm.s32 $0x5640;
	s11 =	simm.s32 $0x7;
	[tilespmem:s8+$0x7D00] =	vst v4  }
0x29e: {  	[hbm4b:s17+s6] =	stream.linear.scatter [tilespmem:s18], [sflag:$0x7], $0x2710, $0x38;
	[tilespmem:$0x1B5D0] =	vst v63  }
0x29f: {  	_ =	swait.ge [sflag:s11], $0x2710  }
0x2a0: {  	s19 =	rddreg [dreg:$0x12]  }
0x2a1: {  	s20 =	rddreg [dreg:$0xf];
	s9 =	sadd.s32 $0x1, s19  }
0x2a2: {  	p0 =	sne.s32 s9, s20  }
.Ltmp10:
0x2a3: {  	_ = 	snop;
	(pc) =	sbr.rel @p0 .LBB2_1-.Ltmp10, $3  }
0x2a4: {  	_ =	sdelay $0x1  }
0x2a5: {  	[sflag:s11] =	ssyncset.done $0x0  }
0x2a6: {  	[sflag:s11] =	ssyncadd.s32 $0xFFFFD8F0  }
0x2a7: {  	_ =	sfence.sel $0x180000  }
0x2a8: {  	[bflag:$0x0] =	sbarrier.arrive $0xFFFF  }
0x2a9: {  	_ =	strace $0x90000047  }
0x2aa: {  	s0 =	stileid.u32;
	[bflag:$0x2] =	sbarrier.arrive $0xFFFF  }
0x2ab: {  	p0 =	sne.s32 s0, $0x0;
	s0 =	rddreg [dreg:$0x6]  }
0x2ac: {  	s0 =	sadd.s32 @!p0 $0x100000, s0  }
0x2ad: {  	[sflag:s0] =	ssyncadd.tile.s32 @!p0 $0x1;
	_ =	shalt  }
.Lfunc_end2:
_tile_overlayer_lowered:
.L_overlay_start_2:
0x2ae: {  	(tag) =	ssettag $0x2  }
0x2af: {  	s0 =	rddreg [dreg:$0x0];
	s2 =	stileid.u32  }
0x2b0: {  	s1 =	rddreg [dreg:$0x1];
	p0 =	sne.s32 s2, $0x0  }
0x2b1: {  	s3 =	rddreg [dreg:$0x2];
	[bflag:$0x3] =	sbarrier.arrive $0xFFFF;
	s2 =	simm.s32 @!p0 $0x1C07  }
0x2b2: {  	[timem:s3], [sflag:s2] =	dma.local @!p0 [hbm:s0], s1  }
0x2b3: {  	s0 =	simm.s32 @!p0 $0x7  }
0x2b4: {  	_ =	swait.ge @!p0 [sflag:s0], s1  }
0x2b5: {  	s1 =	ssub.s32 @!p0 $0x0, s1;
	[sflag:s0] =	ssyncset.done @!p0 $0x0  }
0x2b6: {  	[sflag:s0] =	ssyncadd.s32 @!p0 s1  }
0x2b7: {  	[bflag:$0x3] =	sbarrier.arrive $0xFFFF  }
0x2b8: {  	_ =	shalt  }

</sc_bundles>
